<compile_context>
chip_gen: v7x
topology: tpu7x:2x2x1
jax: 0.10.2.dev20260603
libtpu: 0.0.44.dev20260713+nightly
codegen_flags: <defaults>
</compile_context>

<pallas_src>
import functools

import jax
import jax.numpy as jnp
import numpy as np
from jax import lax
from jax.experimental import pallas as pl
from jax.experimental.pallas import tpu as pltpu
from jax.experimental.pallas import tpu_sc as plsc

_VOCAB = 100000
_D = 128
_SEQ = 2048
_BATCH = 4
_NC = 2
_NS = 16
_NW = _NC * _NS
_ROWS = (_BATCH * _SEQ) // _NW


def _pe_table() -> np.ndarray:
    pos = np.arange(_SEQ, dtype=np.float32)[:, None]
    div = np.exp(np.arange(0, _D, 2, dtype=np.float32) * (-np.log(10000.0) / _D))
    pe = np.zeros((_SEQ, _D), dtype=np.float32)
    pe[:, 0::2] = np.sin(pos * div)
    pe[:, 1::2] = np.cos(pos * div)
    return pe


_PE = _pe_table()


_G = 8
_C = _ROWS // _G


def _sc_body(x_hbm, pe_hbm, table_hbm, out_hbm, idx_v, *rest):
    gbufs = rest[:_G]
    pbufs = rest[_G:2 * _G]
    acc = rest[2 * _G]
    sp = rest[2 * _G + 1]
    sgs = rest[2 * _G + 2:2 * _G + 2 + _G]
    sas = rest[2 * _G + 2 + _G:2 * _G + 2 + 2 * _G]
    sos = rest[2 * _G + 2 + 2 * _G:]
    s_idx = lax.axis_index("s")
    wid = s_idx * _NC + lax.axis_index("c")
    base = wid * _ROWS
    batch = wid // (_SEQ // _ROWS)
    col = lax.rem(base, _SEQ)
    region = s_idx * _ROWS
    pe_load = pltpu.async_copy(
        pe_hbm.at[pl.ds(col, _ROWS)], acc.at[pl.ds(region, _ROWS)], sp)
    pltpu.sync_copy(x_hbm.at[batch, pl.ds(col, _ROWS)], idx_v)
    gathers = [
        pltpu.async_copy(
            table_hbm.at[idx_v.at[pl.ds(g * _C, _C)]], gbufs[g], sgs[g])
        for g in range(_G)
    ]
    for g in range(_G):
        for k in range(_C // 16):
            pbufs[g][pl.ds(k * 16, 16)] = (
                region + g * _C + k * 16 + lax.iota(jnp.int32, 16))
    pe_load.wait()
    adds = []
    for g in range(_G):
        gathers[g].wait()
        adds.append(pltpu.async_copy(
            gbufs[g], acc.at[pbufs[g]], sas[g], add=True))
    outs = []
    for g in range(_G):
        adds[g].wait()
        outs.append(pltpu.async_copy(
            acc.at[pl.ds(region + g * _C, _C)],
            out_hbm.at[pl.ds(base + g * _C, _C)], sos[g]))
    for o in outs:
        o.wait()


@functools.partial(jax.jit, static_argnames=())
def _run(x2d, pe, table):
    mesh = plsc.VectorSubcoreMesh(core_axis_name="c", subcore_axis_name="s")
    f = pl.kernel(
        _sc_body,
        mesh=mesh,
        out_type=jax.ShapeDtypeStruct((_BATCH * _SEQ, _D), jnp.float32),
        scratch_types=(
            [pltpu.VMEM((_ROWS,), jnp.int32)]
            + [pltpu.VMEM((_C, _D), jnp.float32)] * _G
            + [pltpu.VMEM((_C,), jnp.int32)] * _G
            + [pltpu.VMEM_SHARED((_NS * _ROWS, _D), jnp.float32)]
            + [pltpu.SemaphoreType.DMA] * (1 + 3 * _G)
        ),
    )
    return f(x2d, pe, table)


def kernel(x, table):
    out = _run(x, _PE, table)
    return out.reshape(_BATCH, _SEQ, _D)

# --- scband reference (transcript-rebuilt; emitter-appended) ---
"""Pipeline reference for scband-transformer-input-block-54829552501383 (READ-ONLY COPY).

The authoritative reference and input builder live on the scoring server;
editing this copy changes nothing except your own understanding.
"""

import jax, jax.numpy as jnp
import numpy as np

VOCAB = 100000
D_MODEL = 128
SEQ_LEN = 2048
BATCH = 4
PAD_IDX = 0
MUL_SQRT_DMODEL = False


def _pos_encoding(seq_len, d_model):
    pos = np.arange(seq_len, dtype=np.float32)[:, None]
    div = np.exp(np.arange(0, d_model, 2, dtype=np.float32) * (-np.log(10000.0) / d_model))
    pe = np.zeros((seq_len, d_model), dtype=np.float32)
    pe[:, 0::2] = np.sin(pos * div)
    pe[:, 1::2] = np.cos(pos * div)
    return jnp.asarray(pe)


def setup_inputs(seed: int = 0) -> dict:
    key = jax.random.key(seed)
    k1, k2 = jax.random.split(key)
    x = jax.random.randint(k1, (BATCH, SEQ_LEN), 0, VOCAB, dtype=jnp.int32)
    table = jax.random.normal(k2, (VOCAB, D_MODEL), dtype=jnp.float32)
    table = table.at[PAD_IDX].set(0.0)  # padding_idx row is zero
    return {"x": x, "table": table}


def reference(x, table):
    # nn.Embedding with padding_idx: row PAD_IDX is held at zero
    tbl = table.at[PAD_IDX].set(0.0)
    x_emb = jnp.take(tbl, x, axis=0)  # gather -> (B, S, D)
    if MUL_SQRT_DMODEL:
        x_emb = x_emb * jnp.sqrt(jnp.float32(D_MODEL))
    pe = _pos_encoding(x.shape[1], D_MODEL)
    x_pos = x_emb + pe[None, :, :]
    # dropout in eval mode -> identity
    return x_pos

if __name__ == "__main__":
    import jax
    _d = setup_inputs()
    print(jax.jit(kernel)(*tuple(_d.values())))

</pallas_src>

<mosaic_0001>
#map = affine_map<(d0, d1) -> (0, 0)>
module attributes {stable_mosaic.version = 14 : i64} {
  func.func @_sc_body(%arg0: i32, %arg1: i32, %arg2: memref<4x2048xi32, #tpu.memory_space<hbm>>, %arg3: memref<2048x128xf32, #tpu.memory_space<hbm>>, %arg4: memref<100000x128xf32, #tpu.memory_space<hbm>>, %arg5: memref<8192x128xf32, #tpu.memory_space<hbm>>, %arg6: memref<256xi32, #tpu.memory_space<vmem>>, %arg7: memref<32x128xf32, #tpu.memory_space<vmem>>, %arg8: memref<32x128xf32, #tpu.memory_space<vmem>>, %arg9: memref<32x128xf32, #tpu.memory_space<vmem>>, %arg10: memref<32x128xf32, #tpu.memory_space<vmem>>, %arg11: memref<32x128xf32, #tpu.memory_space<vmem>>, %arg12: memref<32x128xf32, #tpu.memory_space<vmem>>, %arg13: memref<32x128xf32, #tpu.memory_space<vmem>>, %arg14: memref<32x128xf32, #tpu.memory_space<vmem>>, %arg15: memref<32xi32, #tpu.memory_space<vmem>>, %arg16: memref<32xi32, #tpu.memory_space<vmem>>, %arg17: memref<32xi32, #tpu.memory_space<vmem>>, %arg18: memref<32xi32, #tpu.memory_space<vmem>>, %arg19: memref<32xi32, #tpu.memory_space<vmem>>, %arg20: memref<32xi32, #tpu.memory_space<vmem>>, %arg21: memref<32xi32, #tpu.memory_space<vmem>>, %arg22: memref<32xi32, #tpu.memory_space<vmem>>, %arg23: memref<4096x128xf32, #tpu.memory_space<vmem_shared>>, %arg24: memref<!tpu.dma_semaphore, #tpu.memory_space<semaphore_mem>>, %arg25: memref<!tpu.dma_semaphore, #tpu.memory_space<semaphore_mem>>, %arg26: memref<!tpu.dma_semaphore, #tpu.memory_space<semaphore_mem>>, %arg27: memref<!tpu.dma_semaphore, #tpu.memory_space<semaphore_mem>>, %arg28: memref<!tpu.dma_semaphore, #tpu.memory_space<semaphore_mem>>, %arg29: memref<!tpu.dma_semaphore, #tpu.memory_space<semaphore_mem>>, %arg30: memref<!tpu.dma_semaphore, #tpu.memory_space<semaphore_mem>>, %arg31: memref<!tpu.dma_semaphore, #tpu.memory_space<semaphore_mem>>, %arg32: memref<!tpu.dma_semaphore, #tpu.memory_space<semaphore_mem>>, %arg33: memref<!tpu.dma_semaphore, #tpu.memory_space<semaphore_mem>>, %arg34: memref<!tpu.dma_semaphore, #tpu.memory_space<semaphore_mem>>, %arg35: memref<!tpu.dma_semaphore, #tpu.memory_space<semaphore_mem>>, %arg36: memref<!tpu.dma_semaphore, #tpu.memory_space<semaphore_mem>>, %arg37: memref<!tpu.dma_semaphore, #tpu.memory_space<semaphore_mem>>, %arg38: memref<!tpu.dma_semaphore, #tpu.memory_space<semaphore_mem>>, %arg39: memref<!tpu.dma_semaphore, #tpu.memory_space<semaphore_mem>>, %arg40: memref<!tpu.dma_semaphore, #tpu.memory_space<semaphore_mem>>, %arg41: memref<!tpu.dma_semaphore, #tpu.memory_space<semaphore_mem>>, %arg42: memref<!tpu.dma_semaphore, #tpu.memory_space<semaphore_mem>>, %arg43: memref<!tpu.dma_semaphore, #tpu.memory_space<semaphore_mem>>, %arg44: memref<!tpu.dma_semaphore, #tpu.memory_space<semaphore_mem>>, %arg45: memref<!tpu.dma_semaphore, #tpu.memory_space<semaphore_mem>>, %arg46: memref<!tpu.dma_semaphore, #tpu.memory_space<semaphore_mem>>, %arg47: memref<!tpu.dma_semaphore, #tpu.memory_space<semaphore_mem>>, %arg48: memref<!tpu.dma_semaphore, #tpu.memory_space<semaphore_mem>>) attributes {dimension_semantics = [#tpu.dimension_semantics<core_parallel>, #tpu.dimension_semantics<subcore_parallel>], iteration_bounds = array<i64: 2, 16>, scalar_prefetch = 0 : i64, scratch_operands = 43 : i64, tpu.core_type = #tpu.core_type<sc_vector_subcore>, window_params = [{transform_indices = #map}, {transform_indices = #map}, {transform_indices = #map}, {transform_indices = #map}]} {
    %mul3A = arith.constant 2 : i32
    %mul3A_0 = arith.muli %arg1, %mul3A : i32
    %add3A = arith.addi %mul3A_0, %arg0 : i32
    %mul3A_1 = arith.constant 256 : i32
    %mul3A_2 = arith.muli %add3A, %mul3A_1 : i32
    %jit3A = arith.constant 8 : i32
    %div3A = arith.divsi %add3A, %jit3A : i32
    %sign3A = arith.constant 0 : i32
    %sign3A_3 = arith.cmpi sgt, %add3A, %sign3A : i32
    %sign3A_4 = arith.extui %sign3A_3 : i1 to i32
    %sign3A_5 = arith.constant 0 : i32
    %sign3A_6 = arith.cmpi slt, %add3A, %sign3A_5 : i32
    %sign3A_7 = arith.extui %sign3A_6 : i1 to i32
    %sign3A_8 = arith.subi %sign3A_4, %sign3A_7 : i32
    %sign3A_9 = arith.constant 0 : i32
    %sign3A_10 = arith.cmpi sgt, %jit3A, %sign3A_9 : i32
    %sign3A_11 = arith.extui %sign3A_10 : i1 to i32
    %sign3A_12 = arith.constant 0 : i32
    %sign3A_13 = arith.cmpi slt, %jit3A, %sign3A_12 : i32
    %sign3A_14 = arith.extui %sign3A_13 : i1 to i32
    %sign3A_15 = arith.subi %sign3A_11, %sign3A_14 : i32
    %ne3A = arith.cmpi ne, %sign3A_8, %sign3A_15 : i32
    %rem3A = arith.remsi %add3A, %jit3A : i32
    %ne3A_16 = arith.constant 0 : i32
    %ne3A_17 = arith.cmpi ne, %rem3A, %ne3A_16 : i32
    %and3A = arith.andi %ne3A, %ne3A_17 : i1
    %sub3A = arith.constant 1 : i32
    %sub3A_18 = arith.subi %div3A, %sub3A : i32
    %select_n3A = arith.select %and3A, %sub3A_18, %div3A : i32
    %rem3A_19 = arith.constant 2048 : i32
    %rem3A_20 = arith.remsi %mul3A_2, %rem3A_19 : i32
    %mul3A_21 = arith.constant 256 : i32
    %mul3A_22 = arith.muli %arg1, %mul3A_21 : i32
    %dma_start3A = arith.constant 0 : i32
    %dma_start3A_23 = tpu.memref_slice %arg23[%mul3A_22, %dma_start3A] : memref<4096x128xf32, #tpu.memory_space<vmem_shared>> -> memref<256x128xf32, #tpu.memory_space<vmem_shared>>
    %dma_start3A_24 = arith.constant 0 : i32
    %dma_start3A_25 = tpu.memref_slice %arg3[%rem3A_20, %dma_start3A_24] : memref<2048x128xf32, #tpu.memory_space<hbm>> -> memref<256x128xf32, #tpu.memory_space<hbm>>
    tpu.enqueue_dma source(%dma_start3A_25 : memref<256x128xf32, #tpu.memory_space<hbm>>) target(%dma_start3A_23 : memref<256x128xf32, #tpu.memory_space<vmem_shared>>) target_semaphore(%arg24 : memref<!tpu.dma_semaphore, #tpu.memory_space<semaphore_mem>>)
    "tpu.region"() ({
      %run_scoped3A = tpu.sem_alloc : memref<!tpu.dma_semaphore, #tpu.memory_space<semaphore_mem>>
      %dma_start3A_427 = tpu.memref_slice %arg2[%select_n3A, %rem3A_20] : memref<4x2048xi32, #tpu.memory_space<hbm>> -> memref<1x256xi32, #tpu.memory_space<hbm>>
      %dma_start3A_428 = tpu.memref_squeeze %dma_start3A_427 : memref<1x256xi32, #tpu.memory_space<hbm>> -> memref<256xi32, #tpu.memory_space<hbm>>
      %dma_start3A_429 = tpu.memref_slice %arg2[%select_n3A, %rem3A_20] : memref<4x2048xi32, #tpu.memory_space<hbm>> -> memref<1x256xi32, #tpu.memory_space<hbm>>
      %dma_start3A_430 = tpu.memref_squeeze %dma_start3A_429 : memref<1x256xi32, #tpu.memory_space<hbm>> -> memref<256xi32, #tpu.memory_space<hbm>>
      tpu.enqueue_dma source(%dma_start3A_430 : memref<256xi32, #tpu.memory_space<hbm>>) target(%arg6 : memref<256xi32, #tpu.memory_space<vmem>>) target_semaphore(%run_scoped3A : memref<!tpu.dma_semaphore, #tpu.memory_space<semaphore_mem>>)
      %dma_wait3A_431 = tpu.memref_slice %arg2[%select_n3A, %rem3A_20] : memref<4x2048xi32, #tpu.memory_space<hbm>> -> memref<1x256xi32, #tpu.memory_space<hbm>>
      %dma_wait3A_432 = tpu.memref_squeeze %dma_wait3A_431 : memref<1x256xi32, #tpu.memory_space<hbm>> -> memref<256xi32, #tpu.memory_space<hbm>>
      %dma_wait3A_433 = tpu.memref_slice %arg2[%select_n3A, %rem3A_20] : memref<4x2048xi32, #tpu.memory_space<hbm>> -> memref<1x256xi32, #tpu.memory_space<hbm>>
      %dma_wait3A_434 = tpu.memref_squeeze %dma_wait3A_433 : memref<1x256xi32, #tpu.memory_space<hbm>> -> memref<256xi32, #tpu.memory_space<hbm>>
      tpu.wait_dma2 semaphore(%run_scoped3A : memref<!tpu.dma_semaphore, #tpu.memory_space<semaphore_mem>>) src(%dma_wait3A_434 : memref<256xi32, #tpu.memory_space<hbm>>) dst(%arg6 : memref<256xi32, #tpu.memory_space<vmem>>)
      tpu.yield
    }) : () -> ()
    %dma_start3A_26 = arith.constant 0 : i32
    %dma_start3A_27 = tpu.memref_slice %arg6[%dma_start3A_26] : memref<256xi32, #tpu.memory_space<vmem>> -> memref<32xi32, #tpu.memory_space<vmem>>
    %dma_start3A_28 = arith.constant 0 : i32
    %dma_start3A_29 = arith.constant 0 : i32
    %dma_start3A_30 = tpu.memref_slice %arg4[%dma_start3A_28, %dma_start3A_29] : memref<100000x128xf32, #tpu.memory_space<hbm>> -> memref<100000x128xf32, #tpu.memory_space<hbm>>
    tpu.enqueue_indirect_dma source(%dma_start3A_30 : memref<100000x128xf32, #tpu.memory_space<hbm>>) target(%arg7 : memref<32x128xf32, #tpu.memory_space<vmem>>) offsets(%dma_start3A_27 : memref<32xi32, #tpu.memory_space<vmem>>) semaphore(%arg25 : memref<!tpu.dma_semaphore, #tpu.memory_space<semaphore_mem>>)
    %dma_start3A_31 = arith.constant 32 : i32
    %dma_start3A_32 = tpu.memref_slice %arg6[%dma_start3A_31] : memref<256xi32, #tpu.memory_space<vmem>> -> memref<32xi32, #tpu.memory_space<vmem>>
    %dma_start3A_33 = arith.constant 0 : i32
    %dma_start3A_34 = arith.constant 0 : i32
    %dma_start3A_35 = tpu.memref_slice %arg4[%dma_start3A_33, %dma_start3A_34] : memref<100000x128xf32, #tpu.memory_space<hbm>> -> memref<100000x128xf32, #tpu.memory_space<hbm>>
    tpu.enqueue_indirect_dma source(%dma_start3A_35 : memref<100000x128xf32, #tpu.memory_space<hbm>>) target(%arg8 : memref<32x128xf32, #tpu.memory_space<vmem>>) offsets(%dma_start3A_32 : memref<32xi32, #tpu.memory_space<vmem>>) semaphore(%arg26 : memref<!tpu.dma_semaphore, #tpu.memory_space<semaphore_mem>>)
    %dma_start3A_36 = arith.constant 64 : i32
    %dma_start3A_37 = tpu.memref_slice %arg6[%dma_start3A_36] : memref<256xi32, #tpu.memory_space<vmem>> -> memref<32xi32, #tpu.memory_space<vmem>>
    %dma_start3A_38 = arith.constant 0 : i32
    %dma_start3A_39 = arith.constant 0 : i32
    %dma_start3A_40 = tpu.memref_slice %arg4[%dma_start3A_38, %dma_start3A_39] : memref<100000x128xf32, #tpu.memory_space<hbm>> -> memref<100000x128xf32, #tpu.memory_space<hbm>>
    tpu.enqueue_indirect_dma source(%dma_start3A_40 : memref<100000x128xf32, #tpu.memory_space<hbm>>) target(%arg9 : memref<32x128xf32, #tpu.memory_space<vmem>>) offsets(%dma_start3A_37 : memref<32xi32, #tpu.memory_space<vmem>>) semaphore(%arg27 : memref<!tpu.dma_semaphore, #tpu.memory_space<semaphore_mem>>)
    %dma_start3A_41 = arith.constant 96 : i32
    %dma_start3A_42 = tpu.memref_slice %arg6[%dma_start3A_41] : memref<256xi32, #tpu.memory_space<vmem>> -> memref<32xi32, #tpu.memory_space<vmem>>
    %dma_start3A_43 = arith.constant 0 : i32
    %dma_start3A_44 = arith.constant 0 : i32
    %dma_start3A_45 = tpu.memref_slice %arg4[%dma_start3A_43, %dma_start3A_44] : memref<100000x128xf32, #tpu.memory_space<hbm>> -> memref<100000x128xf32, #tpu.memory_space<hbm>>
    tpu.enqueue_indirect_dma source(%dma_start3A_45 : memref<100000x128xf32, #tpu.memory_space<hbm>>) target(%arg10 : memref<32x128xf32, #tpu.memory_space<vmem>>) offsets(%dma_start3A_42 : memref<32xi32, #tpu.memory_space<vmem>>) semaphore(%arg28 : memref<!tpu.dma_semaphore, #tpu.memory_space<semaphore_mem>>)
    %dma_start3A_46 = arith.constant 128 : i32
    %dma_start3A_47 = tpu.memref_slice %arg6[%dma_start3A_46] : memref<256xi32, #tpu.memory_space<vmem>> -> memref<32xi32, #tpu.memory_space<vmem>>
    %dma_start3A_48 = arith.constant 0 : i32
    %dma_start3A_49 = arith.constant 0 : i32
    %dma_start3A_50 = tpu.memref_slice %arg4[%dma_start3A_48, %dma_start3A_49] : memref<100000x128xf32, #tpu.memory_space<hbm>> -> memref<100000x128xf32, #tpu.memory_space<hbm>>
    tpu.enqueue_indirect_dma source(%dma_start3A_50 : memref<100000x128xf32, #tpu.memory_space<hbm>>) target(%arg11 : memref<32x128xf32, #tpu.memory_space<vmem>>) offsets(%dma_start3A_47 : memref<32xi32, #tpu.memory_space<vmem>>) semaphore(%arg29 : memref<!tpu.dma_semaphore, #tpu.memory_space<semaphore_mem>>)
    %dma_start3A_51 = arith.constant 160 : i32
    %dma_start3A_52 = tpu.memref_slice %arg6[%dma_start3A_51] : memref<256xi32, #tpu.memory_space<vmem>> -> memref<32xi32, #tpu.memory_space<vmem>>
    %dma_start3A_53 = arith.constant 0 : i32
    %dma_start3A_54 = arith.constant 0 : i32
    %dma_start3A_55 = tpu.memref_slice %arg4[%dma_start3A_53, %dma_start3A_54] : memref<100000x128xf32, #tpu.memory_space<hbm>> -> memref<100000x128xf32, #tpu.memory_space<hbm>>
    tpu.enqueue_indirect_dma source(%dma_start3A_55 : memref<100000x128xf32, #tpu.memory_space<hbm>>) target(%arg12 : memref<32x128xf32, #tpu.memory_space<vmem>>) offsets(%dma_start3A_52 : memref<32xi32, #tpu.memory_space<vmem>>) semaphore(%arg30 : memref<!tpu.dma_semaphore, #tpu.memory_space<semaphore_mem>>)
    %dma_start3A_56 = arith.constant 192 : i32
    %dma_start3A_57 = tpu.memref_slice %arg6[%dma_start3A_56] : memref<256xi32, #tpu.memory_space<vmem>> -> memref<32xi32, #tpu.memory_space<vmem>>
    %dma_start3A_58 = arith.constant 0 : i32
    %dma_start3A_59 = arith.constant 0 : i32
    %dma_start3A_60 = tpu.memref_slice %arg4[%dma_start3A_58, %dma_start3A_59] : memref<100000x128xf32, #tpu.memory_space<hbm>> -> memref<100000x128xf32, #tpu.memory_space<hbm>>
    tpu.enqueue_indirect_dma source(%dma_start3A_60 : memref<100000x128xf32, #tpu.memory_space<hbm>>) target(%arg13 : memref<32x128xf32, #tpu.memory_space<vmem>>) offsets(%dma_start3A_57 : memref<32xi32, #tpu.memory_space<vmem>>) semaphore(%arg31 : memref<!tpu.dma_semaphore, #tpu.memory_space<semaphore_mem>>)
    %dma_start3A_61 = arith.constant 224 : i32
    %dma_start3A_62 = tpu.memref_slice %arg6[%dma_start3A_61] : memref<256xi32, #tpu.memory_space<vmem>> -> memref<32xi32, #tpu.memory_space<vmem>>
    %dma_start3A_63 = arith.constant 0 : i32
    %dma_start3A_64 = arith.constant 0 : i32
    %dma_start3A_65 = tpu.memref_slice %arg4[%dma_start3A_63, %dma_start3A_64] : memref<100000x128xf32, #tpu.memory_space<hbm>> -> memref<100000x128xf32, #tpu.memory_space<hbm>>
    tpu.enqueue_indirect_dma source(%dma_start3A_65 : memref<100000x128xf32, #tpu.memory_space<hbm>>) target(%arg14 : memref<32x128xf32, #tpu.memory_space<vmem>>) offsets(%dma_start3A_62 : memref<32xi32, #tpu.memory_space<vmem>>) semaphore(%arg32 : memref<!tpu.dma_semaphore, #tpu.memory_space<semaphore_mem>>)
    %add3A_66 = arith.constant 0 : i32
    %add3A_67 = arith.addi %mul3A_22, %add3A_66 : i32
    %add3A_68 = arith.constant 0 : i32
    %add3A_69 = arith.addi %add3A_67, %add3A_68 : i32
    %iota3A = tpu.iota {dimensions = array<i32: 0>} : vector<16xi32>
    %add3A_70 = vector.broadcast %add3A_69 : i32 to vector<16xi32>
    %add3A_71 = arith.addi %add3A_70, %iota3A : vector<16xi32>
    %swap3A = arith.constant 0 : index
    %swap3A_72 = tpu.vector_load %arg15[%swap3A] {strides = array<i32>} : memref<32xi32, #tpu.memory_space<vmem>>, vector<16xi32>,
    %swap3A_73 = vector.shape_cast %swap3A_72 : vector<16xi32> to vector<16xi32>
    %swap3A_74 = vector.shape_cast %add3A_71 : vector<16xi32> to vector<16xi32>
    tpu.vector_store %arg15[%swap3A], %swap3A_74 {strides = array<i32>} : memref<32xi32, #tpu.memory_space<vmem>>, vector<16xi32>,
    %add3A_75 = arith.constant 0 : i32
    %add3A_76 = arith.addi %mul3A_22, %add3A_75 : i32
    %add3A_77 = arith.constant 16 : i32
    %add3A_78 = arith.addi %add3A_76, %add3A_77 : i32
    %iota3A_79 = tpu.iota {dimensions = array<i32: 0>} : vector<16xi32>
    %add3A_80 = vector.broadcast %add3A_78 : i32 to vector<16xi32>
    %add3A_81 = arith.addi %add3A_80, %iota3A_79 : vector<16xi32>
    %swap3A_82 = arith.constant 16 : index
    %swap3A_83 = tpu.vector_load %arg15[%swap3A_82] {strides = array<i32>} : memref<32xi32, #tpu.memory_space<vmem>>, vector<16xi32>,
    %swap3A_84 = vector.shape_cast %swap3A_83 : vector<16xi32> to vector<16xi32>
    %swap3A_85 = vector.shape_cast %add3A_81 : vector<16xi32> to vector<16xi32>
    tpu.vector_store %arg15[%swap3A_82], %swap3A_85 {strides = array<i32>} : memref<32xi32, #tpu.memory_space<vmem>>, vector<16xi32>,
    %add3A_86 = arith.constant 32 : i32
    %add3A_87 = arith.addi %mul3A_22, %add3A_86 : i32
    %add3A_88 = arith.constant 0 : i32
    %add3A_89 = arith.addi %add3A_87, %add3A_88 : i32
    %iota3A_90 = tpu.iota {dimensions = array<i32: 0>} : vector<16xi32>
    %add3A_91 = vector.broadcast %add3A_89 : i32 to vector<16xi32>
    %add3A_92 = arith.addi %add3A_91, %iota3A_90 : vector<16xi32>
    %swap3A_93 = arith.constant 0 : index
    %swap3A_94 = tpu.vector_load %arg16[%swap3A_93] {strides = array<i32>} : memref<32xi32, #tpu.memory_space<vmem>>, vector<16xi32>,
    %swap3A_95 = vector.shape_cast %swap3A_94 : vector<16xi32> to vector<16xi32>
    %swap3A_96 = vector.shape_cast %add3A_92 : vector<16xi32> to vector<16xi32>
    tpu.vector_store %arg16[%swap3A_93], %swap3A_96 {strides = array<i32>} : memref<32xi32, #tpu.memory_space<vmem>>, vector<16xi32>,
    %add3A_97 = arith.constant 32 : i32
    %add3A_98 = arith.addi %mul3A_22, %add3A_97 : i32
    %add3A_99 = arith.constant 16 : i32
    %add3A_100 = arith.addi %add3A_98, %add3A_99 : i32
    %iota3A_101 = tpu.iota {dimensions = array<i32: 0>} : vector<16xi32>
    %add3A_102 = vector.broadcast %add3A_100 : i32 to vector<16xi32>
    %add3A_103 = arith.addi %add3A_102, %iota3A_101 : vector<16xi32>
    %swap3A_104 = arith.constant 16 : index
    %swap3A_105 = tpu.vector_load %arg16[%swap3A_104] {strides = array<i32>} : memref<32xi32, #tpu.memory_space<vmem>>, vector<16xi32>,
    %swap3A_106 = vector.shape_cast %swap3A_105 : vector<16xi32> to vector<16xi32>
    %swap3A_107 = vector.shape_cast %add3A_103 : vector<16xi32> to vector<16xi32>
    tpu.vector_store %arg16[%swap3A_104], %swap3A_107 {strides = array<i32>} : memref<32xi32, #tpu.memory_space<vmem>>, vector<16xi32>,
    %add3A_108 = arith.constant 64 : i32
    %add3A_109 = arith.addi %mul3A_22, %add3A_108 : i32
    %add3A_110 = arith.constant 0 : i32
    %add3A_111 = arith.addi %add3A_109, %add3A_110 : i32
    %iota3A_112 = tpu.iota {dimensions = array<i32: 0>} : vector<16xi32>
    %add3A_113 = vector.broadcast %add3A_111 : i32 to vector<16xi32>
    %add3A_114 = arith.addi %add3A_113, %iota3A_112 : vector<16xi32>
    %swap3A_115 = arith.constant 0 : index
    %swap3A_116 = tpu.vector_load %arg17[%swap3A_115] {strides = array<i32>} : memref<32xi32, #tpu.memory_space<vmem>>, vector<16xi32>,
    %swap3A_117 = vector.shape_cast %swap3A_116 : vector<16xi32> to vector<16xi32>
    %swap3A_118 = vector.shape_cast %add3A_114 : vector<16xi32> to vector<16xi32>
    tpu.vector_store %arg17[%swap3A_115], %swap3A_118 {strides = array<i32>} : memref<32xi32, #tpu.memory_space<vmem>>, vector<16xi32>,
    %add3A_119 = arith.constant 64 : i32
    %add3A_120 = arith.addi %mul3A_22, %add3A_119 : i32
    %add3A_121 = arith.constant 16 : i32
    %add3A_122 = arith.addi %add3A_120, %add3A_121 : i32
    %iota3A_123 = tpu.iota {dimensions = array<i32: 0>} : vector<16xi32>
    %add3A_124 = vector.broadcast %add3A_122 : i32 to vector<16xi32>
    %add3A_125 = arith.addi %add3A_124, %iota3A_123 : vector<16xi32>
    %swap3A_126 = arith.constant 16 : index
    %swap3A_127 = tpu.vector_load %arg17[%swap3A_126] {strides = array<i32>} : memref<32xi32, #tpu.memory_space<vmem>>, vector<16xi32>,
    %swap3A_128 = vector.shape_cast %swap3A_127 : vector<16xi32> to vector<16xi32>
    %swap3A_129 = vector.shape_cast %add3A_125 : vector<16xi32> to vector<16xi32>
    tpu.vector_store %arg17[%swap3A_126], %swap3A_129 {strides = array<i32>} : memref<32xi32, #tpu.memory_space<vmem>>, vector<16xi32>,
    %add3A_130 = arith.constant 96 : i32
    %add3A_131 = arith.addi %mul3A_22, %add3A_130 : i32
    %add3A_132 = arith.constant 0 : i32
    %add3A_133 = arith.addi %add3A_131, %add3A_132 : i32
    %iota3A_134 = tpu.iota {dimensions = array<i32: 0>} : vector<16xi32>
    %add3A_135 = vector.broadcast %add3A_133 : i32 to vector<16xi32>
    %add3A_136 = arith.addi %add3A_135, %iota3A_134 : vector<16xi32>
    %swap3A_137 = arith.constant 0 : index
    %swap3A_138 = tpu.vector_load %arg18[%swap3A_137] {strides = array<i32>} : memref<32xi32, #tpu.memory_space<vmem>>, vector<16xi32>,
    %swap3A_139 = vector.shape_cast %swap3A_138 : vector<16xi32> to vector<16xi32>
    %swap3A_140 = vector.shape_cast %add3A_136 : vector<16xi32> to vector<16xi32>
    tpu.vector_store %arg18[%swap3A_137], %swap3A_140 {strides = array<i32>} : memref<32xi32, #tpu.memory_space<vmem>>, vector<16xi32>,
    %add3A_141 = arith.constant 96 : i32
    %add3A_142 = arith.addi %mul3A_22, %add3A_141 : i32
    %add3A_143 = arith.constant 16 : i32
    %add3A_144 = arith.addi %add3A_142, %add3A_143 : i32
    %iota3A_145 = tpu.iota {dimensions = array<i32: 0>} : vector<16xi32>
    %add3A_146 = vector.broadcast %add3A_144 : i32 to vector<16xi32>
    %add3A_147 = arith.addi %add3A_146, %iota3A_145 : vector<16xi32>
    %swap3A_148 = arith.constant 16 : index
    %swap3A_149 = tpu.vector_load %arg18[%swap3A_148] {strides = array<i32>} : memref<32xi32, #tpu.memory_space<vmem>>, vector<16xi32>,
    %swap3A_150 = vector.shape_cast %swap3A_149 : vector<16xi32> to vector<16xi32>
    %swap3A_151 = vector.shape_cast %add3A_147 : vector<16xi32> to vector<16xi32>
    tpu.vector_store %arg18[%swap3A_148], %swap3A_151 {strides = array<i32>} : memref<32xi32, #tpu.memory_space<vmem>>, vector<16xi32>,
    %add3A_152 = arith.constant 128 : i32
    %add3A_153 = arith.addi %mul3A_22, %add3A_152 : i32
    %add3A_154 = arith.constant 0 : i32
    %add3A_155 = arith.addi %add3A_153, %add3A_154 : i32
    %iota3A_156 = tpu.iota {dimensions = array<i32: 0>} : vector<16xi32>
    %add3A_157 = vector.broadcast %add3A_155 : i32 to vector<16xi32>
    %add3A_158 = arith.addi %add3A_157, %iota3A_156 : vector<16xi32>
    %swap3A_159 = arith.constant 0 : index
    %swap3A_160 = tpu.vector_load %arg19[%swap3A_159] {strides = array<i32>} : memref<32xi32, #tpu.memory_space<vmem>>, vector<16xi32>,
    %swap3A_161 = vector.shape_cast %swap3A_160 : vector<16xi32> to vector<16xi32>
    %swap3A_162 = vector.shape_cast %add3A_158 : vector<16xi32> to vector<16xi32>
    tpu.vector_store %arg19[%swap3A_159], %swap3A_162 {strides = array<i32>} : memref<32xi32, #tpu.memory_space<vmem>>, vector<16xi32>,
    %add3A_163 = arith.constant 128 : i32
    %add3A_164 = arith.addi %mul3A_22, %add3A_163 : i32
    %add3A_165 = arith.constant 16 : i32
    %add3A_166 = arith.addi %add3A_164, %add3A_165 : i32
    %iota3A_167 = tpu.iota {dimensions = array<i32: 0>} : vector<16xi32>
    %add3A_168 = vector.broadcast %add3A_166 : i32 to vector<16xi32>
    %add3A_169 = arith.addi %add3A_168, %iota3A_167 : vector<16xi32>
    %swap3A_170 = arith.constant 16 : index
    %swap3A_171 = tpu.vector_load %arg19[%swap3A_170] {strides = array<i32>} : memref<32xi32, #tpu.memory_space<vmem>>, vector<16xi32>,
    %swap3A_172 = vector.shape_cast %swap3A_171 : vector<16xi32> to vector<16xi32>
    %swap3A_173 = vector.shape_cast %add3A_169 : vector<16xi32> to vector<16xi32>
    tpu.vector_store %arg19[%swap3A_170], %swap3A_173 {strides = array<i32>} : memref<32xi32, #tpu.memory_space<vmem>>, vector<16xi32>,
    %add3A_174 = arith.constant 160 : i32
    %add3A_175 = arith.addi %mul3A_22, %add3A_174 : i32
    %add3A_176 = arith.constant 0 : i32
    %add3A_177 = arith.addi %add3A_175, %add3A_176 : i32
    %iota3A_178 = tpu.iota {dimensions = array<i32: 0>} : vector<16xi32>
    %add3A_179 = vector.broadcast %add3A_177 : i32 to vector<16xi32>
    %add3A_180 = arith.addi %add3A_179, %iota3A_178 : vector<16xi32>
    %swap3A_181 = arith.constant 0 : index
    %swap3A_182 = tpu.vector_load %arg20[%swap3A_181] {strides = array<i32>} : memref<32xi32, #tpu.memory_space<vmem>>, vector<16xi32>,
    %swap3A_183 = vector.shape_cast %swap3A_182 : vector<16xi32> to vector<16xi32>
    %swap3A_184 = vector.shape_cast %add3A_180 : vector<16xi32> to vector<16xi32>
    tpu.vector_store %arg20[%swap3A_181], %swap3A_184 {strides = array<i32>} : memref<32xi32, #tpu.memory_space<vmem>>, vector<16xi32>,
    %add3A_185 = arith.constant 160 : i32
    %add3A_186 = arith.addi %mul3A_22, %add3A_185 : i32
    %add3A_187 = arith.constant 16 : i32
    %add3A_188 = arith.addi %add3A_186, %add3A_187 : i32
    %iota3A_189 = tpu.iota {dimensions = array<i32: 0>} : vector<16xi32>
    %add3A_190 = vector.broadcast %add3A_188 : i32 to vector<16xi32>
    %add3A_191 = arith.addi %add3A_190, %iota3A_189 : vector<16xi32>
    %swap3A_192 = arith.constant 16 : index
    %swap3A_193 = tpu.vector_load %arg20[%swap3A_192] {strides = array<i32>} : memref<32xi32, #tpu.memory_space<vmem>>, vector<16xi32>,
    %swap3A_194 = vector.shape_cast %swap3A_193 : vector<16xi32> to vector<16xi32>
    %swap3A_195 = vector.shape_cast %add3A_191 : vector<16xi32> to vector<16xi32>
    tpu.vector_store %arg20[%swap3A_192], %swap3A_195 {strides = array<i32>} : memref<32xi32, #tpu.memory_space<vmem>>, vector<16xi32>,
    %add3A_196 = arith.constant 192 : i32
    %add3A_197 = arith.addi %mul3A_22, %add3A_196 : i32
    %add3A_198 = arith.constant 0 : i32
    %add3A_199 = arith.addi %add3A_197, %add3A_198 : i32
    %iota3A_200 = tpu.iota {dimensions = array<i32: 0>} : vector<16xi32>
    %add3A_201 = vector.broadcast %add3A_199 : i32 to vector<16xi32>
    %add3A_202 = arith.addi %add3A_201, %iota3A_200 : vector<16xi32>
    %swap3A_203 = arith.constant 0 : index
    %swap3A_204 = tpu.vector_load %arg21[%swap3A_203] {strides = array<i32>} : memref<32xi32, #tpu.memory_space<vmem>>, vector<16xi32>,
    %swap3A_205 = vector.shape_cast %swap3A_204 : vector<16xi32> to vector<16xi32>
    %swap3A_206 = vector.shape_cast %add3A_202 : vector<16xi32> to vector<16xi32>
    tpu.vector_store %arg21[%swap3A_203], %swap3A_206 {strides = array<i32>} : memref<32xi32, #tpu.memory_space<vmem>>, vector<16xi32>,
    %add3A_207 = arith.constant 192 : i32
    %add3A_208 = arith.addi %mul3A_22, %add3A_207 : i32
    %add3A_209 = arith.constant 16 : i32
    %add3A_210 = arith.addi %add3A_208, %add3A_209 : i32
    %iota3A_211 = tpu.iota {dimensions = array<i32: 0>} : vector<16xi32>
    %add3A_212 = vector.broadcast %add3A_210 : i32 to vector<16xi32>
    %add3A_213 = arith.addi %add3A_212, %iota3A_211 : vector<16xi32>
    %swap3A_214 = arith.constant 16 : index
    %swap3A_215 = tpu.vector_load %arg21[%swap3A_214] {strides = array<i32>} : memref<32xi32, #tpu.memory_space<vmem>>, vector<16xi32>,
    %swap3A_216 = vector.shape_cast %swap3A_215 : vector<16xi32> to vector<16xi32>
    %swap3A_217 = vector.shape_cast %add3A_213 : vector<16xi32> to vector<16xi32>
    tpu.vector_store %arg21[%swap3A_214], %swap3A_217 {strides = array<i32>} : memref<32xi32, #tpu.memory_space<vmem>>, vector<16xi32>,
    %add3A_218 = arith.constant 224 : i32
    %add3A_219 = arith.addi %mul3A_22, %add3A_218 : i32
    %add3A_220 = arith.constant 0 : i32
    %add3A_221 = arith.addi %add3A_219, %add3A_220 : i32
    %iota3A_222 = tpu.iota {dimensions = array<i32: 0>} : vector<16xi32>
    %add3A_223 = vector.broadcast %add3A_221 : i32 to vector<16xi32>
    %add3A_224 = arith.addi %add3A_223, %iota3A_222 : vector<16xi32>
    %swap3A_225 = arith.constant 0 : index
    %swap3A_226 = tpu.vector_load %arg22[%swap3A_225] {strides = array<i32>} : memref<32xi32, #tpu.memory_space<vmem>>, vector<16xi32>,
    %swap3A_227 = vector.shape_cast %swap3A_226 : vector<16xi32> to vector<16xi32>
    %swap3A_228 = vector.shape_cast %add3A_224 : vector<16xi32> to vector<16xi32>
    tpu.vector_store %arg22[%swap3A_225], %swap3A_228 {strides = array<i32>} : memref<32xi32, #tpu.memory_space<vmem>>, vector<16xi32>,
    %add3A_229 = arith.constant 224 : i32
    %add3A_230 = arith.addi %mul3A_22, %add3A_229 : i32
    %add3A_231 = arith.constant 16 : i32
    %add3A_232 = arith.addi %add3A_230, %add3A_231 : i32
    %iota3A_233 = tpu.iota {dimensions = array<i32: 0>} : vector<16xi32>
    %add3A_234 = vector.broadcast %add3A_232 : i32 to vector<16xi32>
    %add3A_235 = arith.addi %add3A_234, %iota3A_233 : vector<16xi32>
    %swap3A_236 = arith.constant 16 : index
    %swap3A_237 = tpu.vector_load %arg22[%swap3A_236] {strides = array<i32>} : memref<32xi32, #tpu.memory_space<vmem>>, vector<16xi32>,
    %swap3A_238 = vector.shape_cast %swap3A_237 : vector<16xi32> to vector<16xi32>
    %swap3A_239 = vector.shape_cast %add3A_235 : vector<16xi32> to vector<16xi32>
    tpu.vector_store %arg22[%swap3A_236], %swap3A_239 {strides = array<i32>} : memref<32xi32, #tpu.memory_space<vmem>>, vector<16xi32>,
    %dma_wait3A = arith.constant 0 : i32
    %dma_wait3A_240 = tpu.memref_slice %arg23[%mul3A_22, %dma_wait3A] : memref<4096x128xf32, #tpu.memory_space<vmem_shared>> -> memref<256x128xf32, #tpu.memory_space<vmem_shared>>
    %dma_wait3A_241 = arith.constant 0 : i32
    %dma_wait3A_242 = tpu.memref_slice %arg3[%rem3A_20, %dma_wait3A_241] : memref<2048x128xf32, #tpu.memory_space<hbm>> -> memref<256x128xf32, #tpu.memory_space<hbm>>
    tpu.wait_dma2 semaphore(%arg24 : memref<!tpu.dma_semaphore, #tpu.memory_space<semaphore_mem>>) src(%dma_wait3A_242 : memref<256x128xf32, #tpu.memory_space<hbm>>) dst(%dma_wait3A_240 : memref<256x128xf32, #tpu.memory_space<vmem_shared>>)
    %dma_wait3A_243 = arith.constant 0 : i32
    %dma_wait3A_244 = tpu.memref_slice %arg6[%dma_wait3A_243] : memref<256xi32, #tpu.memory_space<vmem>> -> memref<32xi32, #tpu.memory_space<vmem>>
    %dma_wait3A_245 = arith.constant 0 : i32
    %dma_wait3A_246 = arith.constant 0 : i32
    %dma_wait3A_247 = tpu.memref_slice %arg4[%dma_wait3A_245, %dma_wait3A_246] : memref<100000x128xf32, #tpu.memory_space<hbm>> -> memref<100000x128xf32, #tpu.memory_space<hbm>>
    tpu.wait_indirect_dma semaphore(%arg25 : memref<!tpu.dma_semaphore, #tpu.memory_space<semaphore_mem>>) src(%dma_wait3A_247 : memref<100000x128xf32, #tpu.memory_space<hbm>>) dst(%arg7 : memref<32x128xf32, #tpu.memory_space<vmem>>)
    %dma_start3A_248 = arith.constant 0 : i32
    %dma_start3A_249 = arith.constant 0 : i32
    %dma_start3A_250 = tpu.memref_slice %arg23[%dma_start3A_248, %dma_start3A_249] : memref<4096x128xf32, #tpu.memory_space<vmem_shared>> -> memref<4096x128xf32, #tpu.memory_space<vmem_shared>>
    tpu.enqueue_indirect_dma source(%arg7 : memref<32x128xf32, #tpu.memory_space<vmem>>) target(%dma_start3A_250 : memref<4096x128xf32, #tpu.memory_space<vmem_shared>>) offsets(%arg15 : memref<32xi32, #tpu.memory_space<vmem>>) semaphore(%arg33 : memref<!tpu.dma_semaphore, #tpu.memory_space<semaphore_mem>>) {add = true}
    %dma_wait3A_251 = arith.constant 32 : i32
    %dma_wait3A_252 = tpu.memref_slice %arg6[%dma_wait3A_251] : memref<256xi32, #tpu.memory_space<vmem>> -> memref<32xi32, #tpu.memory_space<vmem>>
    %dma_wait3A_253 = arith.constant 0 : i32
    %dma_wait3A_254 = arith.constant 0 : i32
    %dma_wait3A_255 = tpu.memref_slice %arg4[%dma_wait3A_253, %dma_wait3A_254] : memref<100000x128xf32, #tpu.memory_space<hbm>> -> memref<100000x128xf32, #tpu.memory_space<hbm>>
    tpu.wait_indirect_dma semaphore(%arg26 : memref<!tpu.dma_semaphore, #tpu.memory_space<semaphore_mem>>) src(%dma_wait3A_255 : memref<100000x128xf32, #tpu.memory_space<hbm>>) dst(%arg8 : memref<32x128xf32, #tpu.memory_space<vmem>>)
    %dma_start3A_256 = arith.constant 0 : i32
    %dma_start3A_257 = arith.constant 0 : i32
    %dma_start3A_258 = tpu.memref_slice %arg23[%dma_start3A_256, %dma_start3A_257] : memref<4096x128xf32, #tpu.memory_space<vmem_shared>> -> memref<4096x128xf32, #tpu.memory_space<vmem_shared>>
    tpu.enqueue_indirect_dma source(%arg8 : memref<32x128xf32, #tpu.memory_space<vmem>>) target(%dma_start3A_258 : memref<4096x128xf32, #tpu.memory_space<vmem_shared>>) offsets(%arg16 : memref<32xi32, #tpu.memory_space<vmem>>) semaphore(%arg34 : memref<!tpu.dma_semaphore, #tpu.memory_space<semaphore_mem>>) {add = true}
    %dma_wait3A_259 = arith.constant 64 : i32
    %dma_wait3A_260 = tpu.memref_slice %arg6[%dma_wait3A_259] : memref<256xi32, #tpu.memory_space<vmem>> -> memref<32xi32, #tpu.memory_space<vmem>>
    %dma_wait3A_261 = arith.constant 0 : i32
    %dma_wait3A_262 = arith.constant 0 : i32
    %dma_wait3A_263 = tpu.memref_slice %arg4[%dma_wait3A_261, %dma_wait3A_262] : memref<100000x128xf32, #tpu.memory_space<hbm>> -> memref<100000x128xf32, #tpu.memory_space<hbm>>
    tpu.wait_indirect_dma semaphore(%arg27 : memref<!tpu.dma_semaphore, #tpu.memory_space<semaphore_mem>>) src(%dma_wait3A_263 : memref<100000x128xf32, #tpu.memory_space<hbm>>) dst(%arg9 : memref<32x128xf32, #tpu.memory_space<vmem>>)
    %dma_start3A_264 = arith.constant 0 : i32
    %dma_start3A_265 = arith.constant 0 : i32
    %dma_start3A_266 = tpu.memref_slice %arg23[%dma_start3A_264, %dma_start3A_265] : memref<4096x128xf32, #tpu.memory_space<vmem_shared>> -> memref<4096x128xf32, #tpu.memory_space<vmem_shared>>
    tpu.enqueue_indirect_dma source(%arg9 : memref<32x128xf32, #tpu.memory_space<vmem>>) target(%dma_start3A_266 : memref<4096x128xf32, #tpu.memory_space<vmem_shared>>) offsets(%arg17 : memref<32xi32, #tpu.memory_space<vmem>>) semaphore(%arg35 : memref<!tpu.dma_semaphore, #tpu.memory_space<semaphore_mem>>) {add = true}
    %dma_wait3A_267 = arith.constant 96 : i32
    %dma_wait3A_268 = tpu.memref_slice %arg6[%dma_wait3A_267] : memref<256xi32, #tpu.memory_space<vmem>> -> memref<32xi32, #tpu.memory_space<vmem>>
    %dma_wait3A_269 = arith.constant 0 : i32
    %dma_wait3A_270 = arith.constant 0 : i32
    %dma_wait3A_271 = tpu.memref_slice %arg4[%dma_wait3A_269, %dma_wait3A_270] : memref<100000x128xf32, #tpu.memory_space<hbm>> -> memref<100000x128xf32, #tpu.memory_space<hbm>>
    tpu.wait_indirect_dma semaphore(%arg28 : memref<!tpu.dma_semaphore, #tpu.memory_space<semaphore_mem>>) src(%dma_wait3A_271 : memref<100000x128xf32, #tpu.memory_space<hbm>>) dst(%arg10 : memref<32x128xf32, #tpu.memory_space<vmem>>)
    %dma_start3A_272 = arith.constant 0 : i32
    %dma_start3A_273 = arith.constant 0 : i32
    %dma_start3A_274 = tpu.memref_slice %arg23[%dma_start3A_272, %dma_start3A_273] : memref<4096x128xf32, #tpu.memory_space<vmem_shared>> -> memref<4096x128xf32, #tpu.memory_space<vmem_shared>>
    tpu.enqueue_indirect_dma source(%arg10 : memref<32x128xf32, #tpu.memory_space<vmem>>) target(%dma_start3A_274 : memref<4096x128xf32, #tpu.memory_space<vmem_shared>>) offsets(%arg18 : memref<32xi32, #tpu.memory_space<vmem>>) semaphore(%arg36 : memref<!tpu.dma_semaphore, #tpu.memory_space<semaphore_mem>>) {add = true}
    %dma_wait3A_275 = arith.constant 128 : i32
    %dma_wait3A_276 = tpu.memref_slice %arg6[%dma_wait3A_275] : memref<256xi32, #tpu.memory_space<vmem>> -> memref<32xi32, #tpu.memory_space<vmem>>
    %dma_wait3A_277 = arith.constant 0 : i32
    %dma_wait3A_278 = arith.constant 0 : i32
    %dma_wait3A_279 = tpu.memref_slice %arg4[%dma_wait3A_277, %dma_wait3A_278] : memref<100000x128xf32, #tpu.memory_space<hbm>> -> memref<100000x128xf32, #tpu.memory_space<hbm>>
    tpu.wait_indirect_dma semaphore(%arg29 : memref<!tpu.dma_semaphore, #tpu.memory_space<semaphore_mem>>) src(%dma_wait3A_279 : memref<100000x128xf32, #tpu.memory_space<hbm>>) dst(%arg11 : memref<32x128xf32, #tpu.memory_space<vmem>>)
    %dma_start3A_280 = arith.constant 0 : i32
    %dma_start3A_281 = arith.constant 0 : i32
    %dma_start3A_282 = tpu.memref_slice %arg23[%dma_start3A_280, %dma_start3A_281] : memref<4096x128xf32, #tpu.memory_space<vmem_shared>> -> memref<4096x128xf32, #tpu.memory_space<vmem_shared>>
    tpu.enqueue_indirect_dma source(%arg11 : memref<32x128xf32, #tpu.memory_space<vmem>>) target(%dma_start3A_282 : memref<4096x128xf32, #tpu.memory_space<vmem_shared>>) offsets(%arg19 : memref<32xi32, #tpu.memory_space<vmem>>) semaphore(%arg37 : memref<!tpu.dma_semaphore, #tpu.memory_space<semaphore_mem>>) {add = true}
    %dma_wait3A_283 = arith.constant 160 : i32
    %dma_wait3A_284 = tpu.memref_slice %arg6[%dma_wait3A_283] : memref<256xi32, #tpu.memory_space<vmem>> -> memref<32xi32, #tpu.memory_space<vmem>>
    %dma_wait3A_285 = arith.constant 0 : i32
    %dma_wait3A_286 = arith.constant 0 : i32
    %dma_wait3A_287 = tpu.memref_slice %arg4[%dma_wait3A_285, %dma_wait3A_286] : memref<100000x128xf32, #tpu.memory_space<hbm>> -> memref<100000x128xf32, #tpu.memory_space<hbm>>
    tpu.wait_indirect_dma semaphore(%arg30 : memref<!tpu.dma_semaphore, #tpu.memory_space<semaphore_mem>>) src(%dma_wait3A_287 : memref<100000x128xf32, #tpu.memory_space<hbm>>) dst(%arg12 : memref<32x128xf32, #tpu.memory_space<vmem>>)
    %dma_start3A_288 = arith.constant 0 : i32
    %dma_start3A_289 = arith.constant 0 : i32
    %dma_start3A_290 = tpu.memref_slice %arg23[%dma_start3A_288, %dma_start3A_289] : memref<4096x128xf32, #tpu.memory_space<vmem_shared>> -> memref<4096x128xf32, #tpu.memory_space<vmem_shared>>
    tpu.enqueue_indirect_dma source(%arg12 : memref<32x128xf32, #tpu.memory_space<vmem>>) target(%dma_start3A_290 : memref<4096x128xf32, #tpu.memory_space<vmem_shared>>) offsets(%arg20 : memref<32xi32, #tpu.memory_space<vmem>>) semaphore(%arg38 : memref<!tpu.dma_semaphore, #tpu.memory_space<semaphore_mem>>) {add = true}
    %dma_wait3A_291 = arith.constant 192 : i32
    %dma_wait3A_292 = tpu.memref_slice %arg6[%dma_wait3A_291] : memref<256xi32, #tpu.memory_space<vmem>> -> memref<32xi32, #tpu.memory_space<vmem>>
    %dma_wait3A_293 = arith.constant 0 : i32
    %dma_wait3A_294 = arith.constant 0 : i32
    %dma_wait3A_295 = tpu.memref_slice %arg4[%dma_wait3A_293, %dma_wait3A_294] : memref<100000x128xf32, #tpu.memory_space<hbm>> -> memref<100000x128xf32, #tpu.memory_space<hbm>>
    tpu.wait_indirect_dma semaphore(%arg31 : memref<!tpu.dma_semaphore, #tpu.memory_space<semaphore_mem>>) src(%dma_wait3A_295 : memref<100000x128xf32, #tpu.memory_space<hbm>>) dst(%arg13 : memref<32x128xf32, #tpu.memory_space<vmem>>)
    %dma_start3A_296 = arith.constant 0 : i32
    %dma_start3A_297 = arith.constant 0 : i32
    %dma_start3A_298 = tpu.memref_slice %arg23[%dma_start3A_296, %dma_start3A_297] : memref<4096x128xf32, #tpu.memory_space<vmem_shared>> -> memref<4096x128xf32, #tpu.memory_space<vmem_shared>>
    tpu.enqueue_indirect_dma source(%arg13 : memref<32x128xf32, #tpu.memory_space<vmem>>) target(%dma_start3A_298 : memref<4096x128xf32, #tpu.memory_space<vmem_shared>>) offsets(%arg21 : memref<32xi32, #tpu.memory_space<vmem>>) semaphore(%arg39 : memref<!tpu.dma_semaphore, #tpu.memory_space<semaphore_mem>>) {add = true}
    %dma_wait3A_299 = arith.constant 224 : i32
    %dma_wait3A_300 = tpu.memref_slice %arg6[%dma_wait3A_299] : memref<256xi32, #tpu.memory_space<vmem>> -> memref<32xi32, #tpu.memory_space<vmem>>
    %dma_wait3A_301 = arith.constant 0 : i32
    %dma_wait3A_302 = arith.constant 0 : i32
    %dma_wait3A_303 = tpu.memref_slice %arg4[%dma_wait3A_301, %dma_wait3A_302] : memref<100000x128xf32, #tpu.memory_space<hbm>> -> memref<100000x128xf32, #tpu.memory_space<hbm>>
    tpu.wait_indirect_dma semaphore(%arg32 : memref<!tpu.dma_semaphore, #tpu.memory_space<semaphore_mem>>) src(%dma_wait3A_303 : memref<100000x128xf32, #tpu.memory_space<hbm>>) dst(%arg14 : memref<32x128xf32, #tpu.memory_space<vmem>>)
    %dma_start3A_304 = arith.constant 0 : i32
    %dma_start3A_305 = arith.constant 0 : i32
    %dma_start3A_306 = tpu.memref_slice %arg23[%dma_start3A_304, %dma_start3A_305] : memref<4096x128xf32, #tpu.memory_space<vmem_shared>> -> memref<4096x128xf32, #tpu.memory_space<vmem_shared>>
    tpu.enqueue_indirect_dma source(%arg14 : memref<32x128xf32, #tpu.memory_space<vmem>>) target(%dma_start3A_306 : memref<4096x128xf32, #tpu.memory_space<vmem_shared>>) offsets(%arg22 : memref<32xi32, #tpu.memory_space<vmem>>) semaphore(%arg40 : memref<!tpu.dma_semaphore, #tpu.memory_space<semaphore_mem>>) {add = true}
    %dma_wait3A_307 = arith.constant 0 : i32
    %dma_wait3A_308 = arith.constant 0 : i32
    %dma_wait3A_309 = tpu.memref_slice %arg23[%dma_wait3A_307, %dma_wait3A_308] : memref<4096x128xf32, #tpu.memory_space<vmem_shared>> -> memref<4096x128xf32, #tpu.memory_space<vmem_shared>>
    tpu.wait_indirect_dma semaphore(%arg33 : memref<!tpu.dma_semaphore, #tpu.memory_space<semaphore_mem>>) src(%arg7 : memref<32x128xf32, #tpu.memory_space<vmem>>) dst(%dma_wait3A_309 : memref<4096x128xf32, #tpu.memory_space<vmem_shared>>)
    %add3A_310 = arith.constant 0 : i32
    %add3A_311 = arith.addi %mul3A_22, %add3A_310 : i32
    %add3A_312 = arith.constant 0 : i32
    %add3A_313 = arith.addi %mul3A_2, %add3A_312 : i32
    %dma_start3A_314 = arith.constant 0 : i32
    %dma_start3A_315 = tpu.memref_slice %arg5[%add3A_313, %dma_start3A_314] : memref<8192x128xf32, #tpu.memory_space<hbm>> -> memref<32x128xf32, #tpu.memory_space<hbm>>
    %dma_start3A_316 = arith.constant 0 : i32
    %dma_start3A_317 = tpu.memref_slice %arg23[%add3A_311, %dma_start3A_316] : memref<4096x128xf32, #tpu.memory_space<vmem_shared>> -> memref<32x128xf32, #tpu.memory_space<vmem_shared>>
    tpu.enqueue_dma source(%dma_start3A_317 : memref<32x128xf32, #tpu.memory_space<vmem_shared>>) target(%dma_start3A_315 : memref<32x128xf32, #tpu.memory_space<hbm>>) target_semaphore(%arg41 : memref<!tpu.dma_semaphore, #tpu.memory_space<semaphore_mem>>)
    %dma_wait3A_318 = arith.constant 0 : i32
    %dma_wait3A_319 = arith.constant 0 : i32
    %dma_wait3A_320 = tpu.memref_slice %arg23[%dma_wait3A_318, %dma_wait3A_319] : memref<4096x128xf32, #tpu.memory_space<vmem_shared>> -> memref<4096x128xf32, #tpu.memory_space<vmem_shared>>
    tpu.wait_indirect_dma semaphore(%arg34 : memref<!tpu.dma_semaphore, #tpu.memory_space<semaphore_mem>>) src(%arg8 : memref<32x128xf32, #tpu.memory_space<vmem>>) dst(%dma_wait3A_320 : memref<4096x128xf32, #tpu.memory_space<vmem_shared>>)
    %add3A_321 = arith.constant 32 : i32
    %add3A_322 = arith.addi %mul3A_22, %add3A_321 : i32
    %add3A_323 = arith.constant 32 : i32
    %add3A_324 = arith.addi %mul3A_2, %add3A_323 : i32
    %dma_start3A_325 = arith.constant 0 : i32
    %dma_start3A_326 = tpu.memref_slice %arg5[%add3A_324, %dma_start3A_325] : memref<8192x128xf32, #tpu.memory_space<hbm>> -> memref<32x128xf32, #tpu.memory_space<hbm>>
    %dma_start3A_327 = arith.constant 0 : i32
    %dma_start3A_328 = tpu.memref_slice %arg23[%add3A_322, %dma_start3A_327] : memref<4096x128xf32, #tpu.memory_space<vmem_shared>> -> memref<32x128xf32, #tpu.memory_space<vmem_shared>>
    tpu.enqueue_dma source(%dma_start3A_328 : memref<32x128xf32, #tpu.memory_space<vmem_shared>>) target(%dma_start3A_326 : memref<32x128xf32, #tpu.memory_space<hbm>>) target_semaphore(%arg42 : memref<!tpu.dma_semaphore, #tpu.memory_space<semaphore_mem>>)
    %dma_wait3A_329 = arith.constant 0 : i32
    %dma_wait3A_330 = arith.constant 0 : i32
    %dma_wait3A_331 = tpu.memref_slice %arg23[%dma_wait3A_329, %dma_wait3A_330] : memref<4096x128xf32, #tpu.memory_space<vmem_shared>> -> memref<4096x128xf32, #tpu.memory_space<vmem_shared>>
    tpu.wait_indirect_dma semaphore(%arg35 : memref<!tpu.dma_semaphore, #tpu.memory_space<semaphore_mem>>) src(%arg9 : memref<32x128xf32, #tpu.memory_space<vmem>>) dst(%dma_wait3A_331 : memref<4096x128xf32, #tpu.memory_space<vmem_shared>>)
    %add3A_332 = arith.constant 64 : i32
    %add3A_333 = arith.addi %mul3A_22, %add3A_332 : i32
    %add3A_334 = arith.constant 64 : i32
    %add3A_335 = arith.addi %mul3A_2, %add3A_334 : i32
    %dma_start3A_336 = arith.constant 0 : i32
    %dma_start3A_337 = tpu.memref_slice %arg5[%add3A_335, %dma_start3A_336] : memref<8192x128xf32, #tpu.memory_space<hbm>> -> memref<32x128xf32, #tpu.memory_space<hbm>>
    %dma_start3A_338 = arith.constant 0 : i32
    %dma_start3A_339 = tpu.memref_slice %arg23[%add3A_333, %dma_start3A_338] : memref<4096x128xf32, #tpu.memory_space<vmem_shared>> -> memref<32x128xf32, #tpu.memory_space<vmem_shared>>
    tpu.enqueue_dma source(%dma_start3A_339 : memref<32x128xf32, #tpu.memory_space<vmem_shared>>) target(%dma_start3A_337 : memref<32x128xf32, #tpu.memory_space<hbm>>) target_semaphore(%arg43 : memref<!tpu.dma_semaphore, #tpu.memory_space<semaphore_mem>>)
    %dma_wait3A_340 = arith.constant 0 : i32
    %dma_wait3A_341 = arith.constant 0 : i32
    %dma_wait3A_342 = tpu.memref_slice %arg23[%dma_wait3A_340, %dma_wait3A_341] : memref<4096x128xf32, #tpu.memory_space<vmem_shared>> -> memref<4096x128xf32, #tpu.memory_space<vmem_shared>>
    tpu.wait_indirect_dma semaphore(%arg36 : memref<!tpu.dma_semaphore, #tpu.memory_space<semaphore_mem>>) src(%arg10 : memref<32x128xf32, #tpu.memory_space<vmem>>) dst(%dma_wait3A_342 : memref<4096x128xf32, #tpu.memory_space<vmem_shared>>)
    %add3A_343 = arith.constant 96 : i32
    %add3A_344 = arith.addi %mul3A_22, %add3A_343 : i32
    %add3A_345 = arith.constant 96 : i32
    %add3A_346 = arith.addi %mul3A_2, %add3A_345 : i32
    %dma_start3A_347 = arith.constant 0 : i32
    %dma_start3A_348 = tpu.memref_slice %arg5[%add3A_346, %dma_start3A_347] : memref<8192x128xf32, #tpu.memory_space<hbm>> -> memref<32x128xf32, #tpu.memory_space<hbm>>
    %dma_start3A_349 = arith.constant 0 : i32
    %dma_start3A_350 = tpu.memref_slice %arg23[%add3A_344, %dma_start3A_349] : memref<4096x128xf32, #tpu.memory_space<vmem_shared>> -> memref<32x128xf32, #tpu.memory_space<vmem_shared>>
    tpu.enqueue_dma source(%dma_start3A_350 : memref<32x128xf32, #tpu.memory_space<vmem_shared>>) target(%dma_start3A_348 : memref<32x128xf32, #tpu.memory_space<hbm>>) target_semaphore(%arg44 : memref<!tpu.dma_semaphore, #tpu.memory_space<semaphore_mem>>)
    %dma_wait3A_351 = arith.constant 0 : i32
    %dma_wait3A_352 = arith.constant 0 : i32
    %dma_wait3A_353 = tpu.memref_slice %arg23[%dma_wait3A_351, %dma_wait3A_352] : memref<4096x128xf32, #tpu.memory_space<vmem_shared>> -> memref<4096x128xf32, #tpu.memory_space<vmem_shared>>
    tpu.wait_indirect_dma semaphore(%arg37 : memref<!tpu.dma_semaphore, #tpu.memory_space<semaphore_mem>>) src(%arg11 : memref<32x128xf32, #tpu.memory_space<vmem>>) dst(%dma_wait3A_353 : memref<4096x128xf32, #tpu.memory_space<vmem_shared>>)
    %add3A_354 = arith.constant 128 : i32
    %add3A_355 = arith.addi %mul3A_22, %add3A_354 : i32
    %add3A_356 = arith.constant 128 : i32
    %add3A_357 = arith.addi %mul3A_2, %add3A_356 : i32
    %dma_start3A_358 = arith.constant 0 : i32
    %dma_start3A_359 = tpu.memref_slice %arg5[%add3A_357, %dma_start3A_358] : memref<8192x128xf32, #tpu.memory_space<hbm>> -> memref<32x128xf32, #tpu.memory_space<hbm>>
    %dma_start3A_360 = arith.constant 0 : i32
    %dma_start3A_361 = tpu.memref_slice %arg23[%add3A_355, %dma_start3A_360] : memref<4096x128xf32, #tpu.memory_space<vmem_shared>> -> memref<32x128xf32, #tpu.memory_space<vmem_shared>>
    tpu.enqueue_dma source(%dma_start3A_361 : memref<32x128xf32, #tpu.memory_space<vmem_shared>>) target(%dma_start3A_359 : memref<32x128xf32, #tpu.memory_space<hbm>>) target_semaphore(%arg45 : memref<!tpu.dma_semaphore, #tpu.memory_space<semaphore_mem>>)
    %dma_wait3A_362 = arith.constant 0 : i32
    %dma_wait3A_363 = arith.constant 0 : i32
    %dma_wait3A_364 = tpu.memref_slice %arg23[%dma_wait3A_362, %dma_wait3A_363] : memref<4096x128xf32, #tpu.memory_space<vmem_shared>> -> memref<4096x128xf32, #tpu.memory_space<vmem_shared>>
    tpu.wait_indirect_dma semaphore(%arg38 : memref<!tpu.dma_semaphore, #tpu.memory_space<semaphore_mem>>) src(%arg12 : memref<32x128xf32, #tpu.memory_space<vmem>>) dst(%dma_wait3A_364 : memref<4096x128xf32, #tpu.memory_space<vmem_shared>>)
    %add3A_365 = arith.constant 160 : i32
    %add3A_366 = arith.addi %mul3A_22, %add3A_365 : i32
    %add3A_367 = arith.constant 160 : i32
    %add3A_368 = arith.addi %mul3A_2, %add3A_367 : i32
    %dma_start3A_369 = arith.constant 0 : i32
    %dma_start3A_370 = tpu.memref_slice %arg5[%add3A_368, %dma_start3A_369] : memref<8192x128xf32, #tpu.memory_space<hbm>> -> memref<32x128xf32, #tpu.memory_space<hbm>>
    %dma_start3A_371 = arith.constant 0 : i32
    %dma_start3A_372 = tpu.memref_slice %arg23[%add3A_366, %dma_start3A_371] : memref<4096x128xf32, #tpu.memory_space<vmem_shared>> -> memref<32x128xf32, #tpu.memory_space<vmem_shared>>
    tpu.enqueue_dma source(%dma_start3A_372 : memref<32x128xf32, #tpu.memory_space<vmem_shared>>) target(%dma_start3A_370 : memref<32x128xf32, #tpu.memory_space<hbm>>) target_semaphore(%arg46 : memref<!tpu.dma_semaphore, #tpu.memory_space<semaphore_mem>>)
    %dma_wait3A_373 = arith.constant 0 : i32
    %dma_wait3A_374 = arith.constant 0 : i32
    %dma_wait3A_375 = tpu.memref_slice %arg23[%dma_wait3A_373, %dma_wait3A_374] : memref<4096x128xf32, #tpu.memory_space<vmem_shared>> -> memref<4096x128xf32, #tpu.memory_space<vmem_shared>>
    tpu.wait_indirect_dma semaphore(%arg39 : memref<!tpu.dma_semaphore, #tpu.memory_space<semaphore_mem>>) src(%arg13 : memref<32x128xf32, #tpu.memory_space<vmem>>) dst(%dma_wait3A_375 : memref<4096x128xf32, #tpu.memory_space<vmem_shared>>)
    %add3A_376 = arith.constant 192 : i32
    %add3A_377 = arith.addi %mul3A_22, %add3A_376 : i32
    %add3A_378 = arith.constant 192 : i32
    %add3A_379 = arith.addi %mul3A_2, %add3A_378 : i32
    %dma_start3A_380 = arith.constant 0 : i32
    %dma_start3A_381 = tpu.memref_slice %arg5[%add3A_379, %dma_start3A_380] : memref<8192x128xf32, #tpu.memory_space<hbm>> -> memref<32x128xf32, #tpu.memory_space<hbm>>
    %dma_start3A_382 = arith.constant 0 : i32
    %dma_start3A_383 = tpu.memref_slice %arg23[%add3A_377, %dma_start3A_382] : memref<4096x128xf32, #tpu.memory_space<vmem_shared>> -> memref<32x128xf32, #tpu.memory_space<vmem_shared>>
    tpu.enqueue_dma source(%dma_start3A_383 : memref<32x128xf32, #tpu.memory_space<vmem_shared>>) target(%dma_start3A_381 : memref<32x128xf32, #tpu.memory_space<hbm>>) target_semaphore(%arg47 : memref<!tpu.dma_semaphore, #tpu.memory_space<semaphore_mem>>)
    %dma_wait3A_384 = arith.constant 0 : i32
    %dma_wait3A_385 = arith.constant 0 : i32
    %dma_wait3A_386 = tpu.memref_slice %arg23[%dma_wait3A_384, %dma_wait3A_385] : memref<4096x128xf32, #tpu.memory_space<vmem_shared>> -> memref<4096x128xf32, #tpu.memory_space<vmem_shared>>
    tpu.wait_indirect_dma semaphore(%arg40 : memref<!tpu.dma_semaphore, #tpu.memory_space<semaphore_mem>>) src(%arg14 : memref<32x128xf32, #tpu.memory_space<vmem>>) dst(%dma_wait3A_386 : memref<4096x128xf32, #tpu.memory_space<vmem_shared>>)
    %add3A_387 = arith.constant 224 : i32
    %add3A_388 = arith.addi %mul3A_22, %add3A_387 : i32
    %add3A_389 = arith.constant 224 : i32
    %add3A_390 = arith.addi %mul3A_2, %add3A_389 : i32
    %dma_start3A_391 = arith.constant 0 : i32
    %dma_start3A_392 = tpu.memref_slice %arg5[%add3A_390, %dma_start3A_391] : memref<8192x128xf32, #tpu.memory_space<hbm>> -> memref<32x128xf32, #tpu.memory_space<hbm>>
    %dma_start3A_393 = arith.constant 0 : i32
    %dma_start3A_394 = tpu.memref_slice %arg23[%add3A_388, %dma_start3A_393] : memref<4096x128xf32, #tpu.memory_space<vmem_shared>> -> memref<32x128xf32, #tpu.memory_space<vmem_shared>>
    tpu.enqueue_dma source(%dma_start3A_394 : memref<32x128xf32, #tpu.memory_space<vmem_shared>>) target(%dma_start3A_392 : memref<32x128xf32, #tpu.memory_space<hbm>>) target_semaphore(%arg48 : memref<!tpu.dma_semaphore, #tpu.memory_space<semaphore_mem>>)
    %dma_wait3A_395 = arith.constant 0 : i32
    %dma_wait3A_396 = tpu.memref_slice %arg5[%add3A_313, %dma_wait3A_395] : memref<8192x128xf32, #tpu.memory_space<hbm>> -> memref<32x128xf32, #tpu.memory_space<hbm>>
    %dma_wait3A_397 = arith.constant 0 : i32
    %dma_wait3A_398 = tpu.memref_slice %arg23[%add3A_311, %dma_wait3A_397] : memref<4096x128xf32, #tpu.memory_space<vmem_shared>> -> memref<32x128xf32, #tpu.memory_space<vmem_shared>>
    tpu.wait_dma2 semaphore(%arg41 : memref<!tpu.dma_semaphore, #tpu.memory_space<semaphore_mem>>) src(%dma_wait3A_398 : memref<32x128xf32, #tpu.memory_space<vmem_shared>>) dst(%dma_wait3A_396 : memref<32x128xf32, #tpu.memory_space<hbm>>)
    %dma_wait3A_399 = arith.constant 0 : i32
    %dma_wait3A_400 = tpu.memref_slice %arg5[%add3A_324, %dma_wait3A_399] : memref<8192x128xf32, #tpu.memory_space<hbm>> -> memref<32x128xf32, #tpu.memory_space<hbm>>
    %dma_wait3A_401 = arith.constant 0 : i32
    %dma_wait3A_402 = tpu.memref_slice %arg23[%add3A_322, %dma_wait3A_401] : memref<4096x128xf32, #tpu.memory_space<vmem_shared>> -> memref<32x128xf32, #tpu.memory_space<vmem_shared>>
    tpu.wait_dma2 semaphore(%arg42 : memref<!tpu.dma_semaphore, #tpu.memory_space<semaphore_mem>>) src(%dma_wait3A_402 : memref<32x128xf32, #tpu.memory_space<vmem_shared>>) dst(%dma_wait3A_400 : memref<32x128xf32, #tpu.memory_space<hbm>>)
    %dma_wait3A_403 = arith.constant 0 : i32
    %dma_wait3A_404 = tpu.memref_slice %arg5[%add3A_335, %dma_wait3A_403] : memref<8192x128xf32, #tpu.memory_space<hbm>> -> memref<32x128xf32, #tpu.memory_space<hbm>>
    %dma_wait3A_405 = arith.constant 0 : i32
    %dma_wait3A_406 = tpu.memref_slice %arg23[%add3A_333, %dma_wait3A_405] : memref<4096x128xf32, #tpu.memory_space<vmem_shared>> -> memref<32x128xf32, #tpu.memory_space<vmem_shared>>
    tpu.wait_dma2 semaphore(%arg43 : memref<!tpu.dma_semaphore, #tpu.memory_space<semaphore_mem>>) src(%dma_wait3A_406 : memref<32x128xf32, #tpu.memory_space<vmem_shared>>) dst(%dma_wait3A_404 : memref<32x128xf32, #tpu.memory_space<hbm>>)
    %dma_wait3A_407 = arith.constant 0 : i32
    %dma_wait3A_408 = tpu.memref_slice %arg5[%add3A_346, %dma_wait3A_407] : memref<8192x128xf32, #tpu.memory_space<hbm>> -> memref<32x128xf32, #tpu.memory_space<hbm>>
    %dma_wait3A_409 = arith.constant 0 : i32
    %dma_wait3A_410 = tpu.memref_slice %arg23[%add3A_344, %dma_wait3A_409] : memref<4096x128xf32, #tpu.memory_space<vmem_shared>> -> memref<32x128xf32, #tpu.memory_space<vmem_shared>>
    tpu.wait_dma2 semaphore(%arg44 : memref<!tpu.dma_semaphore, #tpu.memory_space<semaphore_mem>>) src(%dma_wait3A_410 : memref<32x128xf32, #tpu.memory_space<vmem_shared>>) dst(%dma_wait3A_408 : memref<32x128xf32, #tpu.memory_space<hbm>>)
    %dma_wait3A_411 = arith.constant 0 : i32
    %dma_wait3A_412 = tpu.memref_slice %arg5[%add3A_357, %dma_wait3A_411] : memref<8192x128xf32, #tpu.memory_space<hbm>> -> memref<32x128xf32, #tpu.memory_space<hbm>>
    %dma_wait3A_413 = arith.constant 0 : i32
    %dma_wait3A_414 = tpu.memref_slice %arg23[%add3A_355, %dma_wait3A_413] : memref<4096x128xf32, #tpu.memory_space<vmem_shared>> -> memref<32x128xf32, #tpu.memory_space<vmem_shared>>
    tpu.wait_dma2 semaphore(%arg45 : memref<!tpu.dma_semaphore, #tpu.memory_space<semaphore_mem>>) src(%dma_wait3A_414 : memref<32x128xf32, #tpu.memory_space<vmem_shared>>) dst(%dma_wait3A_412 : memref<32x128xf32, #tpu.memory_space<hbm>>)
    %dma_wait3A_415 = arith.constant 0 : i32
    %dma_wait3A_416 = tpu.memref_slice %arg5[%add3A_368, %dma_wait3A_415] : memref<8192x128xf32, #tpu.memory_space<hbm>> -> memref<32x128xf32, #tpu.memory_space<hbm>>
    %dma_wait3A_417 = arith.constant 0 : i32
    %dma_wait3A_418 = tpu.memref_slice %arg23[%add3A_366, %dma_wait3A_417] : memref<4096x128xf32, #tpu.memory_space<vmem_shared>> -> memref<32x128xf32, #tpu.memory_space<vmem_shared>>
    tpu.wait_dma2 semaphore(%arg46 : memref<!tpu.dma_semaphore, #tpu.memory_space<semaphore_mem>>) src(%dma_wait3A_418 : memref<32x128xf32, #tpu.memory_space<vmem_shared>>) dst(%dma_wait3A_416 : memref<32x128xf32, #tpu.memory_space<hbm>>)
    %dma_wait3A_419 = arith.constant 0 : i32
    %dma_wait3A_420 = tpu.memref_slice %arg5[%add3A_379, %dma_wait3A_419] : memref<8192x128xf32, #tpu.memory_space<hbm>> -> memref<32x128xf32, #tpu.memory_space<hbm>>
    %dma_wait3A_421 = arith.constant 0 : i32
    %dma_wait3A_422 = tpu.memref_slice %arg23[%add3A_377, %dma_wait3A_421] : memref<4096x128xf32, #tpu.memory_space<vmem_shared>> -> memref<32x128xf32, #tpu.memory_space<vmem_shared>>
    tpu.wait_dma2 semaphore(%arg47 : memref<!tpu.dma_semaphore, #tpu.memory_space<semaphore_mem>>) src(%dma_wait3A_422 : memref<32x128xf32, #tpu.memory_space<vmem_shared>>) dst(%dma_wait3A_420 : memref<32x128xf32, #tpu.memory_space<hbm>>)
    %dma_wait3A_423 = arith.constant 0 : i32
    %dma_wait3A_424 = tpu.memref_slice %arg5[%add3A_390, %dma_wait3A_423] : memref<8192x128xf32, #tpu.memory_space<hbm>> -> memref<32x128xf32, #tpu.memory_space<hbm>>
    %dma_wait3A_425 = arith.constant 0 : i32
    %dma_wait3A_426 = tpu.memref_slice %arg23[%add3A_388, %dma_wait3A_425] : memref<4096x128xf32, #tpu.memory_space<vmem_shared>> -> memref<32x128xf32, #tpu.memory_space<vmem_shared>>
    tpu.wait_dma2 semaphore(%arg48 : memref<!tpu.dma_semaphore, #tpu.memory_space<semaphore_mem>>) src(%dma_wait3A_426 : memref<32x128xf32, #tpu.memory_space<vmem_shared>>) dst(%dma_wait3A_424 : memref<32x128xf32, #tpu.memory_space<hbm>>)
    return
  }
}

</mosaic_0001>

<sc_bundles>
// kernel: _run.3.cloned.1.call-start
scs
__scs_entry_jumppad:
0x0: {  	(pc) =	sbr.rel $0x88, $3  }
0x1: {  	(tag) =	ssettag $0x0;
	lr =	simm.s32 $0x1  }
0x2: {  	[smem:$0x3F9E] =	sst lr;
	_ =	strace $0xD0000000  }
0x3: {  	_ = 	snop  }
0x4: {  	_ = 	snop  }
0x5: {  	_ = 	snop  }
0x6: {  	_ = 	snop  }
0x7: {  	_ = 	snop  }
__scs_overlays_trampoline_lowered:
0x8: {  	[smem:$0x3FAD] =	sst s0  }
0x9: {  	[smem:$0x3FAE] =	sst s1  }
0xa: {  	[smem:$0x3FAF] =	sst s2  }
0xb: {  	[smem:$0x3FB0] =	sst s3  }
0xc: {  	[smem:$0x3FB1] =	sst s4  }
0xd: {  	[smem:$0x3FB2] =	sst s5  }
0xe: {  	[smem:$0x3FB3] =	sst s6  }
0xf: {  	[smem:$0x3FB4] =	sst s7  }
0x10: {  	[smem:$0x3FB5] =	sst s8  }
0x11: {  	[smem:$0x3FB6] =	sst s9;
	s0 =	simm.s32 @!p0 $0x0  }
0x12: {  	s1 =	sld [smem:$0x3F9C];
	s0 =	simm.s32 @p0 $0x1  }
0x13: {  	[smem:$0x3FB7] =	sst s0;
	s0 =	simm.s32 @!p1 $0x0  }
0x14: {  	s2 =	sld [smem:$0x3F9B];
	s0 =	simm.s32 @p1 $0x1  }
0x15: {  	[smem:$0x3FB8] =	sst s0;
	s0 =	simm.s32 @!p2 $0x0  }
0x16: {  	s3 =	sld [smem:$0x3FDB];
	s0 =	simm.s32 @p2 $0x1  }
0x17: {  	s4 =	simm.s32 $0x1BF5;
	[smem:$0x3FBA] =	sst s0  }
0x18: {  	s0 =	sld [smem:$0x3F9D];
	_ =	swait.ge [sflag:s4], $0x0  }
0x19: {  	s7 =	sld [smem:$0x3F9E]  }
0x1a: {  	s8 =	sadd.s32 $0xFFFFE003, lr  }
0x1b: {  	s9 =	sadd.s32 $0xFFFFFEF7, lr;
	s5 =	simm.s32 $0xFFFFFFFF;
	p2 =	slt.u32 s8, $0xFFFFF086  }
0x1c: {  	p1 =	slt.u32 s9, $0xF7A;
	s5 =	simm.s32 @!p2 $0x0  }
0x1d: {  	s5 =	simm.s32 @p1 $0x1;
	p0 =	seq.s32 s7, s2  }
0x1e: {  	s7 =	smul.u32 @!p0 $0xF7A, s2;
	p2 =	seq.s32 @!p0 s5, $0x0  }
0x1f: {  	s9 =	smul.u32 $0xF7A, s1;
	s8 =	simm.s32 @!p0 $0x1BF5;
	p2 =	por !p2, p0  }
0x20: {  	[sflag:s8] =	ssyncset.s32 @!p0 $0xFFFFF086;
	s6 =	sadd.s32 @!p0 s3, s7;
	s7 =	simm.s32 @!p0 $0x108  }
0x21: {  	s3 =	sadd.s32 s3, s9;
	s6 =	sadd.s32 @!p0 $0x88, s6;
	s7 =	simm.s32 @p2 $0x1082  }
0x22: {  	[simem:s7], [sflag:s8] =	dma.local @!p0 [hbm:s6], $0xF7A  }
0x23: {  	s9 =	sor.u32 $0xD0000000, s2;
	s6 =	simm.s32 $0x108;
	_ =	swait.ge @!p0 [sflag:s8], $0x0  }
0x24: {  	s3 =	sadd.s32 $0x88, s3;
	s6 =	simm.s32 @!p1 $0x1082;
	[sflag:s4] =	ssyncset.s32 $0xFFFFF086  }
0x25: {  	[simem:s6], [sflag:s4] =	dma.local [hbm:s3], $0xF7A  }
0x26: {  	[smem:$0x3F9E] =	sst s1;
	(tag) =	ssettag s2;
	_ =	strace s9  }
0x27: {  	s1 =	sld [smem:$0x3FAE]  }
0x28: {  	s2 =	sld [smem:$0x3FAF]  }
0x29: {  	s4 =	sld [smem:$0x3FB1]  }
0x2a: {  	p0 =	seq.s32 s5, $0x0;
	s5 =	sld [smem:$0x3FB2]  }
0x2b: {  	s6 =	sld [smem:$0x3FB3]  }
0x2c: {  	s7 =	sld [smem:$0x3FB4]  }
0x2d: {  	s3 =	simm.s32 $0x108;
	s8 =	sld [smem:$0x3FB5]  }
0x2e: {  	s3 =	simm.s32 @!p0 $0x1082;
	s9 =	sld [smem:$0x3FB6]  }
0x2f: {  	lr =	sadd.s32 s0, s3;
	s0 =	sld [smem:$0x3FAD]  }
0x30: {  	s3 =	sld [smem:$0x3FB0]  }
0x31: {  	[smem:$0x3FB9] =	sst s10  }
0x32: {  	s10 =	sld [smem:$0x3FB7];
	_ =	sdelay $0x3  }
0x33: {  	p0 =	seq.s32 s10, $0x1;
	s10 =	sld [smem:$0x3FB9];
	_ =	sdelay $0x3  }
0x34: {  	[smem:$0x3FB9] =	sst s10  }
0x35: {  	s10 =	sld [smem:$0x3FB8];
	_ =	sdelay $0x3  }
0x36: {  	p1 =	seq.s32 s10, $0x1;
	s10 =	sld [smem:$0x3FB9];
	_ =	sdelay $0x3  }
0x37: {  	[smem:$0x3FB9] =	sst s10  }
0x38: {  	s10 =	sld [smem:$0x3FBA]  }
0x39: {  	_ = 	snop;
	(pc) =	sbr.ind lr, $3  }
0x3a: {  	_ = 	snop  }
0x3b: {  	_ = 	snop  }
0x3c: {  	p2 =	seq.s32 s10, $0x1;
	s10 =	sld [smem:$0x3FB9]  }
0x3d: {  	_ =	shalt  }
0x3e: {  	_ =	shalt  }
0x3f: {  	_ =	shalt  }
0x40: {  	_ =	shalt  }
0x41: {  	_ =	shalt  }
0x42: {  	_ =	shalt  }
0x43: {  	_ =	shalt  }
0x44: {  	_ =	shalt  }
0x45: {  	_ =	shalt  }
0x46: {  	_ =	shalt  }
0x47: {  	_ =	shalt  }
0x48: {  	_ =	shalt  }
0x49: {  	_ =	shalt  }
0x4a: {  	_ =	shalt  }
0x4b: {  	_ =	shalt  }
0x4c: {  	_ =	shalt  }
0x4d: {  	_ =	shalt  }
0x4e: {  	_ =	shalt  }
0x4f: {  	_ =	shalt  }
0x50: {  	_ =	shalt  }
0x51: {  	_ =	shalt  }
0x52: {  	_ =	shalt  }
0x53: {  	_ =	shalt  }
0x54: {  	_ =	shalt  }
0x55: {  	_ =	shalt  }
0x56: {  	_ =	shalt  }
0x57: {  	_ =	shalt  }
0x58: {  	_ =	shalt  }
0x59: {  	_ =	shalt  }
0x5a: {  	_ =	shalt  }
0x5b: {  	_ =	shalt  }
0x5c: {  	_ =	shalt  }
0x5d: {  	_ =	shalt  }
0x5e: {  	_ =	shalt  }
0x5f: {  	_ =	shalt  }
0x60: {  	_ =	shalt  }
0x61: {  	_ =	shalt  }
0x62: {  	_ =	shalt  }
0x63: {  	_ =	shalt  }
0x64: {  	_ =	shalt  }
0x65: {  	_ =	shalt  }
0x66: {  	_ =	shalt  }
0x67: {  	_ =	shalt  }
0x68: {  	_ =	shalt  }
0x69: {  	_ =	shalt  }
0x6a: {  	_ =	shalt  }
0x6b: {  	_ =	shalt  }
0x6c: {  	_ =	shalt  }
0x6d: {  	_ =	shalt  }
0x6e: {  	_ =	shalt  }
0x6f: {  	_ =	shalt  }
0x70: {  	_ =	shalt  }
0x71: {  	_ =	shalt  }
0x72: {  	_ =	shalt  }
0x73: {  	_ =	shalt  }
0x74: {  	_ =	shalt  }
0x75: {  	_ =	shalt  }
0x76: {  	_ =	shalt  }
0x77: {  	_ =	shalt  }
0x78: {  	_ =	shalt  }
0x79: {  	_ =	shalt  }
0x7a: {  	_ =	shalt  }
0x7b: {  	_ =	shalt  }
0x7c: {  	_ =	shalt  }
0x7d: {  	_ =	shalt  }
0x7e: {  	_ =	shalt  }
0x7f: {  	_ =	shalt  }
0x80: {  	_ =	shalt  }
0x81: {  	_ =	shalt  }
0x82: {  	_ =	shalt  }
0x83: {  	_ =	shalt  }
0x84: {  	_ =	shalt  }
0x85: {  	_ =	shalt  }
0x86: {  	_ =	shalt  }
0x87: {  	_ =	shalt  }
.Lfunc_end0:
.L_simem_size_0:
called_computation_lowered:
.L_overlay_start_0:
0x88: {  	s2 =	sld [smem:$0x3FD9]  }
0x89: {  	s3 =	sld [smem:$0x3FFE];
	_ =	sdelay $0x1  }
0x8a: {  	s1 =	srdreg.scid  }
0x8b: {  	s0 =	sand.u32 $0x1, s1  }
0x8c: {  	s18 =	sshll.u32 s0, $0xA;
	s2 =	sadd.s32 s3, s2  }
0x8d: {  	s2 =	sadd.s32 s2, s18  }
0x8e: {  	[smem:$0x3FC5] =	sst s2  }
0x8f: {  	_ = 	snop  }
0x90: {  	s2 =	sld [smem:$0x3FC9]  }
0x91: {  	s19 =	sld [smem:$0x3FC8]  }
0x92: {  	s4 =	sld [smem:$0x3FC7]  }
0x93: {  	s5 =	sld [smem:$0x3FD0];
	(tm) =	ssettm $0x1  }
0x94: {  	s6 =	sld [smem:$0x3FFB];
	_ =	sdelay $0x3  }
0x95: {  	_ =	strace s6  }
0x96: {  	s6 =	sld [smem:$0x3FFC];
	_ =	sdelay $0x3  }
0x97: {  	_ =	strace s6  }
0x98: {  	s6 =	sld [smem:$0x3FFD];
	_ =	sdelay $0x3  }
0x99: {  	_ =	strace s6  }
0x9a: {  	_ =	strace $0x8FFFFFFF  }
0x9b: {  	s20 =	sld [smem:$0x3FDB];
	_ =	sdelay $0x1  }
0x9c: {  	s7 =	simm.s32 $_scs_section_size  }
0x9d: {  	s8 =	simm.s32 $_size__tile_overlayer_lowered;
	s9 =	simm.s32 $_tile_overlayer_lowered  }
0x9e: {  	s23 =	simm.s32 $0x1BFF;
	s22 =	sshll.u32 s9, $0x1;
	s6 =	sadd.s32 s7, s20  }
0x9f: {  	s10 =	simm.s32 $0x0;
	s21 =	sshll.u32 s8, $0x1;
	s8 =	sadd.s32 s22, s6  }
0xa0: {  	[timem:s10], [sflag:s23] =	dma.local [hbm:s8], s21  }
0xa1: {  	_ =	swait.ge [sflag:s23], s21  }
0xa2: {  	s7 =	ssub.s32 $0x0, s21;
	[sflag:s23] =	ssyncset.done $0x0  }
0xa3: {  	[sflag:s23] =	ssyncadd.s32 s7;
	_ =	sdelay $0x1  }
0xa4: {  	s24 =	simm.s32 $0x1B8B  }
0xa5: {  	_ =	swait.ge [sflag:s24], $0x1  }
0xa6: {  	[sflag:s24] =	ssyncset.done $0x0  }
0xa7: {  	s25 =	simm.s32 $0x1B8E;
	[sflag:s24] =	ssyncadd.s32 $0xFFFFFFFF  }
0xa8: {  	s26 =	simm.s32 $execute0_lowered;
	[smem:$0x3FD2] =	sst s25  }
0xa9: {  	s7 =	sshll.u32 s26, $0x1;
	_ =	strace $0x80000046;
	[dreg:$0x1] =	wrdreg $0xFFFFFFFF  }
0xaa: {  	s28 =	simm.s32 $_size_execute0_lowered;
	s6 =	sadd.s32 s6, s7;
	[dreg:$0x0] =	wrdreg $0x0  }
0xab: {  	s7 =	sshll.u32 s28, $0x1;
	[dreg:$0x2] =	wrdreg s6  }
0xac: {  	[dreg:$0x3] =	wrdreg s7  }
0xad: {  	[dreg:$0x4] =	wrdreg $0xC0  }
0xae: {  	_ =	task [dreg:s10], $0x5FFFF  }
0xaf: {  	[dreg:$0x1] =	wrdreg $0xFFFFFFFF  }
0xb0: {  	[dreg:$0x0] =	wrdreg $0x60  }
0xb1: {  	[dreg:$0x2] =	wrdreg s2  }
0xb2: {  	[dreg:$0x3] =	wrdreg s19  }
0xb3: {  	[dreg:$0x4] =	wrdreg s4  }
0xb4: {  	[dreg:$0x5] =	wrdreg s5  }
0xb5: {  	[dreg:$0x6] =	wrdreg $0x85000  }
0xb6: {  	[dreg:$0x7] =	wrdreg $0x9  }
0xb7: {  	_ =	task.clear_ibuf [dreg:s10], $0x8FFFF;
	_ =	strace $0x90000046  }
0xb8: {  	s29 =	simm.s32 $0x9;
	_ =	strace $0x80000048  }
0xb9: {  	_ =	swait.ge [sflag:s29], $0x1  }
0xba: {  	[sflag:s29] =	ssyncadd.s32 $0xFFFFFFFF  }
0xbb: {  	_ =	strace $0x90000048  }
0xbc: {  	_ =	sfence  }
0xbd: {  	s30 =	sld [smem:$0x0];
	_ =	sdelay $0x2  }
0xbe: {  	s31 =	sshll.u32 s1, $0xD;
	s1 =	sshrl.u32 s1, $0x2  }
0xbf: {  	s3 =	sand.u32 $0x4000, s31;
	s1 =	sadd.s32 s1, s30  }
0xc0: {  	s0 =	sor.u32 s3, s0;
	s1 =	sshll.u32 s1, $0x11  }
0xc1: {  	s0 =	sor.u32 s1, s0  }
0xc2: {  	s0 =	sadd.s32 $0x8F2B, s0  }
0xc3: {  	[sflag:s0] =	ssyncadd.remote.s32 $0x1  }
0xc4: {  	_ =	sfence.sel $0xFFFF  }
0xc5: {  	[dreg:$0x0] =	wrdreg $0xFFFFFFFF;
	(pc) =	sbr.abs _section_cstart, $3  }
0xc6: {  	[dreg:$0x1] =	wrdreg $0xFFFFFFFF  }
0xc7: {  	_ =	task.clear_ibuf [dreg:s10], $0x2FFFF;
	_ =	strace $0x9FFFFFFF  }
0xc8: {  	(tm) =	ssettm $0x7FFFFFFF  }
0xc9: {  	_ =	shalt  }
tec
execute0_lowered:
.L_overlay_start_1:
0x0: {  	(tag) =	ssettag $0x1  }
0x1: {  	s1 =	rddreg [dreg:$0x0]  }
0x2: {  	s4 =	rddreg [dreg:$0x1]  }
0x3: {  	s2 =	rddreg [dreg:$0x2]  }
0x4: {  	s0 =	srdreg.scid;
	s6 =	rddreg [dreg:$0x3]  }
0x5: {  	s10 =	stileid.u32;
	s3 =	rddreg [dreg:$0x4];
	s17 =	simm.s32 $0x0  }
0x6: {  	s11 =	simm.s32 $0xC0;
	s12 =	simm.s32 $0xE0;
	[smem:$0x7FF] =	sst s17  }
0x7: {  	s13 =	simm.s32 $0x8100;
	_ =	strace $0x80000047;
	[dreg:$0x14] =	wrdreg s11  }
0x8: {  	s14 =	simm.s32 $0x8180;
	s15 =	simm.s32 $0x8200;
	[dreg:$0x15] =	wrdreg s12  }
0x9: {  	s0 =	sand.u32 $0x1, s0;
	s5 =	sshll.u32 s10, $0x1;
	[dreg:$0x16] =	wrdreg s13  }
0xa: {  	s16 =	simm.s32 $0x8280;
	s7 =	sor.u32 s0, s5;
	[dreg:$0x17] =	wrdreg s14  }
0xb: {  	[dreg:$0x18] =	wrdreg s15;
	s5 =	sshll.u32 s7, $0x8;
	s7 =	sshll.u32 s7, $0xC  }
0xc: {  	[dreg:$0x19] =	wrdreg s16;
	s18 =	sadd.s32 s6, s7;
	s7 =	simm.s32 $0x200  }
0xd: {  	s22 =	sadd.s32 $0x200, s18;
	[dreg:$0x10] =	wrdreg s7  }
0xe: {  	s23 =	sadd.s32 $0x400, s18;
	[dreg:$0x9] =	wrdreg s22  }
0xf: {  	s24 =	sadd.s32 $0x600, s18;
	[dreg:$0xa] =	wrdreg s23  }
0x10: {  	s5 =	sand.u32 $0x700, s5;
	s25 =	sadd.s32 $0x800, s18;
	[dreg:$0xb] =	wrdreg s24  }
0x11: {  	s8 =	sshll.u32 s5, $0x4;
	s26 =	sadd.s32 $0xA00, s18;
	[dreg:$0xc] =	wrdreg s25  }
0x12: {  	s19 =	sshll.u32 s5, $0x2;
	s6 =	sadd.s32 $0xE00, s18;
	[dreg:$0xd] =	wrdreg s26  }
0x13: {  	s5 =	sshll.u32 s10, $0x6;
	s4 =	sadd.s32 s4, s8;
	[dreg:$0xf] =	wrdreg s6  }
0x14: {  	s9 =	sshll.u32 s10, $0x5;
	s21 =	sor.u32 $0x1C01, s5;
	[dreg:$0x6] =	wrdreg s4  }
0x15: {  	s9 =	sand.u32 $0x180, s9;
	s8 =	simm.s32 $0x40;
	[dreg:$0x7] =	wrdreg s21  }
0x16: {  	s20 =	sor.u32 s9, s19;
	s9 =	simm.s32 $0x60;
	[dreg:$0x11] =	wrdreg s8  }
0x17: {  	s19 =	simm.s32 $0x8300;
	[dreg:$0x12] =	wrdreg s9  }
0x18: {  	s22 =	simm.s32 $0x8480;
	[dreg:$0x1a] =	wrdreg s19  }
0x19: {  	s4 =	sshrl.u32 s20, $0x3;
	s20 =	simm.s32 $0x8380;
	[dreg:$0x1d] =	wrdreg s22  }
0x1a: {  	s21 =	simm.s32 $0x8400;
	[dreg:$0x1b] =	wrdreg s20  }
0x1b: {  	[dreg:$0x1c] =	wrdreg s21  }
0x1c: {  	s6 =	sshll.u32 s10, $0xF;
	s1 =	sadd.s32 s1, s4;
	s22 =	rddreg [dreg:$0x6]  }
0x1d: {  	s4 =	sadd.s32 $0xC00, s18;
	[dreg:$0x8] =	wrdreg s1;
	s1 =	sshll.u32 s10, $0x8  }
0x1e: {  	[dreg:$0xe] =	wrdreg s4;
	s10 =	simm.s32 $0xA0;
	s4 =	sor.u32 $0x20, s1  }
0x1f: {  	s7 =	sor.u32 $0x40, s1;
	[dreg:$0x13] =	wrdreg s10;
	s8 =	sor.u32 $0x60, s1  }
0x20: {  	s10 =	sor.u32 $0x80, s1;
	s11 =	sor.u32 $0xA0, s1;
	s12 =	sshll.u32 s4, $0x7  }
0x21: {  	s13 =	sshll.u32 s7, $0x7;
	s14 =	sshll.u32 s8, $0x7;
	s12 =	sadd.s32 s12, s3  }
0x22: {  	s15 =	sshll.u32 s10, $0x7;
	s13 =	sadd.s32 s13, s3;
	s23 =	sshrl.u32 s12, $0x3  }
0x23: {  	s14 =	sadd.s32 s14, s3;
	s25 =	sshrl.u32 s13, $0x3;
	[dreg:$0x1e] =	wrdreg s23  }
0x24: {  	s24 =	sadd.s32 s15, s3;
	s14 =	sshrl.u32 s14, $0x3;
	[dreg:$0x1f] =	wrdreg s25  }
0x25: {  	s26 =	sshll.u32 s11, $0x7;
	s15 =	sshrl.u32 s24, $0x3;
	[smem:$0x7F4] =	sst s14  }
0x26: {  	s13 =	sadd.s32 s26, s3;
	s12 =	sor.u32 $0xC0, s1;
	[smem:$0x7F6] =	sst s15  }
0x27: {  	s16 =	sshrl.u32 s13, $0x3;
	s13 =	sor.u32 $0xE0, s1;
	s19 =	sshll.u32 s12, $0x7  }
0x28: {  	[smem:$0x7F8] =	sst s16;
	s20 =	sadd.s32 s19, s3;
	s21 =	sshll.u32 s13, $0x7  }
0x29: {  	s16 =	rddreg [dreg:$0x7];
	s14 =	sadd.s32 s21, s3;
	s9 =	sshrl.u32 s20, $0x3  }
0x2a: {  	s6 =	sadd.s32 s6, s3;
	[smem:$0x7FA] =	sst s9;
	s23 =	sshrl.u32 s14, $0x3  }
0x2b: {  	s6 =	sshrl.u32 s6, $0x3;
	[smem:$0x7FC] =	sst s23  }
0x2c: {  	[spmem:s6], [sflag:s16] =	dma.local [hbm:s22], $0x1000  }
0x2d: {  	s24 =	rddreg [dreg:$0x8]  }
0x2e: {  	s26 =	simm.s32 $0x80;
	s20 =	simm.s32 $0x1A;
	s25 =	rddreg [dreg:$0x10]  }
0x2f: {  	[tilespmem:s17], [sflag:$0x1A] =	stream.strided.gather [hbm4b:s24+s26], $0x100, s25, s26, $0x38;
	[tilespmem:$0x10500] =	vst v63  }
0x30: {  	_ =	swait.ge [sflag:s20], $0x100  }
0x31: {  	[sflag:s20] =	ssyncset.done $0x0  }
0x32: {  	s19 =	simm.s32 $0x100;
	s9 =	simm.s32 $0x20;
	[sflag:s20] =	ssyncadd.s32 $0xFFFFFF00  }
0x33: {  	[tilespmem:s19], [sflag:$0x2] =	stream.indirect.gather [hbm4b:s2+s9], $0x80, s17, s9, $0xb8;
	[tilespmem:$0x10500] =	vst v63  }
0x34: {  	s17 =	simm.s32 $0x1100  }
0x35: {  	[tilespmem:s17], [sflag:$0x3] =	stream.indirect.gather [hbm4b:s2+s9], $0x80, s9, s9, $0xb8;
	[tilespmem:$0x10500] =	vst v63  }
0x36: {  	s21 =	rddreg [dreg:$0x11];
	s20 =	simm.s32 $0x2100  }
0x37: {  	[tilespmem:s20], [sflag:$0x4] =	stream.indirect.gather [hbm4b:s2+s9], $0x80, s21, s9, $0xb8;
	[tilespmem:$0x10500] =	vst v63  }
0x38: {  	s22 =	rddreg [dreg:$0x12];
	s21 =	simm.s32 $0x3100  }
0x39: {  	[tilespmem:s21], [sflag:$0x5] =	stream.indirect.gather [hbm4b:s2+s9], $0x80, s22, s9, $0xb8;
	[tilespmem:$0x10500] =	vst v63  }
0x3a: {  	s22 =	simm.s32 $0x4100  }
0x3b: {  	[tilespmem:s22], [sflag:$0x6] =	stream.indirect.gather [hbm4b:s2+s9], $0x80, s26, s9, $0xb8;
	[tilespmem:$0x10500] =	vst v63  }
0x3c: {  	s16 =	simm.s32 $0x5100;
	s23 =	rddreg [dreg:$0x13]  }
0x3d: {  	[tilespmem:s16], [sflag:$0x7] =	stream.indirect.gather [hbm4b:s2+s9], $0x80, s23, s9, $0xb8;
	[tilespmem:$0x10500] =	vst v63  }
0x3e: {  	s24 =	rddreg [dreg:$0x14];
	s23 =	simm.s32 $0x6100  }
0x3f: {  	[tilespmem:s23], [sflag:$0x8] =	stream.indirect.gather [hbm4b:s2+s9], $0x80, s24, s9, $0xb8;
	[tilespmem:$0x10500] =	vst v63  }
0x40: {  	v15 =	vlaneseq.u32;
	s25 =	rddreg [dreg:$0x15];
	s26 =	sor.u32 $0xF0, s1;
	s24 =	simm.s32 $0x7100  }
0x41: {  	v0 =	vor.u32 s26, v15;
	[tilespmem:s24], [sflag:$0x9] =	stream.indirect.gather [hbm4b:s2+s9], $0x80, s25, s9, $0xb8;
	[tilespmem:$0x10500] =	vst v63  }
0x42: {  	s15 =	sor.u32 $0xD0, s1;
	v1 =	vor.u32 s13, v15;
	[tilespmem:$0x8490] =	vst v0  }
0x43: {  	v2 =	vor.u32 s15, v15;
	[tilespmem:$0x8480] =	vst v1  }
0x44: {  	v3 =	vor.u32 s12, v15;
	[tilespmem:$0x8410] =	vst v2  }
0x45: {  	v5 =	vor.u32 s11, v15;
	s26 =	sor.u32 $0x90, s1;
	[tilespmem:$0x8400] =	vst v3  }
0x46: {  	v6 =	vor.u32 s26, v15;
	[tilespmem:$0x8380] =	vst v5  }
0x47: {  	v7 =	vor.u32 s8, v15;
	[tilespmem:$0x8310] =	vst v6  }
0x48: {  	s11 =	sor.u32 $0x70, s1;
	v8 =	vor.u32 s10, v15;
	[tilespmem:$0x8280] =	vst v7  }
0x49: {  	v9 =	vor.u32 s11, v15;
	s12 =	sor.u32 $0x50, s1;
	[tilespmem:$0x8300] =	vst v8  }
0x4a: {  	v10 =	vor.u32 s12, v15;
	[tilespmem:$0x8290] =	vst v9  }
0x4b: {  	v11 =	vor.u32 s7, v15;
	s13 =	sor.u32 $0x30, s1;
	[tilespmem:$0x8210] =	vst v10  }
0x4c: {  	v12 =	vor.u32 s13, v15;
	[tilespmem:$0x8200] =	vst v11  }
0x4d: {  	v13 =	vor.u32 s4, v15;
	[tilespmem:$0x8190] =	vst v12  }
0x4e: {  	v14 =	vor.u32 s1, v15;
	s25 =	sor.u32 $0xB0, s1;
	[tilespmem:$0x8180] =	vst v13  }
0x4f: {  	s1 =	sor.u32 $0x10, s1;
	v4 =	vor.u32 s25, v15;
	[tilespmem:$0x8100] =	vst v14  }
0x50: {  	v15 =	vor.u32 s1, v15;
	[tilespmem:$0x8390] =	vst v4  }
0x51: {  	s14 =	simm.s32 $0x1;
	[tilespmem:$0x8110] =	vst v15  }
0x52: {  	_ =	swait.ge [sflag:s14], $0x1000  }
0x53: {  	[sflag:s14] =	ssyncset.done $0x0  }
0x54: {  	s15 =	simm.s32 $0x2;
	[sflag:s14] =	ssyncadd.s32 $0xFFFFF000  }
0x55: {  	_ =	swait.ge [sflag:s15], $0x1000  }
0x56: {  	[sflag:s15] =	ssyncset.done $0x0  }
0x57: {  	s26 =	simm.s32 $0x3;
	s25 =	rddreg [dreg:$0x16];
	[sflag:s15] =	ssyncadd.s32 $0xFFFFF000  }
0x58: {  	[spmem:s3] =	stream.indirect.scatter.add.f32 [tilespmem:s19], [sflag:$0xA], $0x80, s25, s9, $0xb8;
	[tilespmem:$0x10500] =	vst v63  }
0x59: {  	_ =	swait.ge [sflag:s26], $0x1000  }
0x5a: {  	[sflag:s26] =	ssyncset.done $0x0  }
0x5b: {  	s8 =	simm.s32 $0x4;
	s4 =	rddreg [dreg:$0x17];
	[sflag:s26] =	ssyncadd.s32 $0xFFFFF000  }
0x5c: {  	[spmem:s3] =	stream.indirect.scatter.add.f32 [tilespmem:s17], [sflag:$0xB], $0x80, s4, s9, $0xb8;
	[tilespmem:$0x10500] =	vst v63  }
0x5d: {  	_ =	swait.ge [sflag:s8], $0x1000  }
0x5e: {  	[sflag:s8] =	ssyncset.done $0x0  }
0x5f: {  	s11 =	simm.s32 $0x5;
	s10 =	rddreg [dreg:$0x18];
	[sflag:s8] =	ssyncadd.s32 $0xFFFFF000  }
0x60: {  	[spmem:s3] =	stream.indirect.scatter.add.f32 [tilespmem:s20], [sflag:$0xC], $0x80, s10, s9, $0xb8;
	[tilespmem:$0x10500] =	vst v63  }
0x61: {  	_ =	swait.ge [sflag:s11], $0x1000  }
0x62: {  	[sflag:s11] =	ssyncset.done $0x0  }
0x63: {  	s13 =	simm.s32 $0x6;
	s12 =	rddreg [dreg:$0x19];
	[sflag:s11] =	ssyncadd.s32 $0xFFFFF000  }
0x64: {  	[spmem:s3] =	stream.indirect.scatter.add.f32 [tilespmem:s21], [sflag:$0xD], $0x80, s12, s9, $0xb8;
	[tilespmem:$0x10500] =	vst v63  }
0x65: {  	_ =	swait.ge [sflag:s13], $0x1000  }
0x66: {  	[sflag:s13] =	ssyncset.done $0x0  }
0x67: {  	s15 =	simm.s32 $0x7;
	s14 =	rddreg [dreg:$0x1a];
	[sflag:s13] =	ssyncadd.s32 $0xFFFFF000  }
0x68: {  	[spmem:s3] =	stream.indirect.scatter.add.f32 [tilespmem:s22], [sflag:$0xE], $0x80, s14, s9, $0xb8;
	[tilespmem:$0x10500] =	vst v63  }
0x69: {  	_ =	swait.ge [sflag:s15], $0x1000  }
0x6a: {  	[sflag:s15] =	ssyncset.done $0x0  }
0x6b: {  	s19 =	simm.s32 $0x8;
	s17 =	rddreg [dreg:$0x1b];
	[sflag:s15] =	ssyncadd.s32 $0xFFFFF000  }
0x6c: {  	[spmem:s3] =	stream.indirect.scatter.add.f32 [tilespmem:s16], [sflag:$0xF], $0x80, s17, s9, $0xb8;
	[tilespmem:$0x10500] =	vst v63  }
0x6d: {  	_ =	swait.ge [sflag:s19], $0x1000  }
0x6e: {  	[sflag:s19] =	ssyncset.done $0x0  }
0x6f: {  	s21 =	simm.s32 $0x9;
	s20 =	rddreg [dreg:$0x1c];
	[sflag:s19] =	ssyncadd.s32 $0xFFFFF000  }
0x70: {  	[spmem:s3] =	stream.indirect.scatter.add.f32 [tilespmem:s23], [sflag:$0x10], $0x80, s20, s9, $0xb8;
	[tilespmem:$0x10500] =	vst v63  }
0x71: {  	_ =	swait.ge [sflag:s21], $0x1000  }
0x72: {  	[sflag:s21] =	ssyncset.done $0x0  }
0x73: {  	s28 =	simm.s32 $0xA;
	s22 =	rddreg [dreg:$0x1d];
	[sflag:s21] =	ssyncadd.s32 $0xFFFFF000  }
0x74: {  	[spmem:s3] =	stream.indirect.scatter.add.f32 [tilespmem:s24], [sflag:$0x11], $0x80, s22, s9, $0xb8;
	[tilespmem:$0x10500] =	vst v63  }
0x75: {  	_ =	swait.ge [sflag:s28], $0x1000  }
0x76: {  	s23 =	sor.u32 $0x1C12, s5;
	[sflag:s28] =	ssyncset.done $0x0;
	[smem:$0x7F0] =	sst s18  }
0x77: {  	s30 =	simm.s32 $0xB;
	[smem:$0x7F1] =	sst s23;
	[sflag:s28] =	ssyncadd.s32 $0xFFFFF000  }
0x78: {  	[hbm:s18], [sflag:s23] =	dma.local [spmem:s6], $0x200  }
0x79: {  	_ =	swait.ge [sflag:s30], $0x1000  }
0x7a: {  	s24 =	rddreg [dreg:$0x9]  }
0x7b: {  	s26 =	sor.u32 $0x1C13, s5;
	s25 =	rddreg [dreg:$0x1e];
	[sflag:s30] =	ssyncset.done $0x0  }
0x7c: {  	s1 =	simm.s32 $0xC;
	[smem:$0x7F2] =	sst s26;
	[sflag:s30] =	ssyncadd.s32 $0xFFFFF000  }
0x7d: {  	[hbm:s24], [sflag:s26] =	dma.local [spmem:s25], $0x200  }
0x7e: {  	_ =	swait.ge [sflag:s1], $0x1000  }
0x7f: {  	s8 =	rddreg [dreg:$0xa]  }
0x80: {  	s11 =	sor.u32 $0x1C14, s5;
	s10 =	rddreg [dreg:$0x1f];
	[sflag:s1] =	ssyncset.done $0x0  }
0x81: {  	s4 =	simm.s32 $0xD;
	[smem:$0x7F3] =	sst s11;
	[sflag:s1] =	ssyncadd.s32 $0xFFFFF000  }
0x82: {  	[hbm:s8], [sflag:s11] =	dma.local [spmem:s10], $0x200  }
0x83: {  	_ =	swait.ge [sflag:s4], $0x1000  }
0x84: {  	s13 =	sld [smem:$0x7F4]  }
0x85: {  	s14 =	sor.u32 $0x1C15, s5;
	s12 =	rddreg [dreg:$0xb];
	[sflag:s4] =	ssyncset.done $0x0  }
0x86: {  	s7 =	simm.s32 $0xE;
	[smem:$0x7F5] =	sst s14;
	[sflag:s4] =	ssyncadd.s32 $0xFFFFF000  }
0x87: {  	[hbm:s12], [sflag:s14] =	dma.local [spmem:s13], $0x200  }
0x88: {  	_ =	swait.ge [sflag:s7], $0x1000  }
0x89: {  	s31 =	simm.s32 $0x16;
	s29 =	simm.s32 $0x17;
	s16 =	sld [smem:$0x7F6]  }
0x8a: {  	s17 =	sor.u32 $0x1C16, s5;
	s15 =	rddreg [dreg:$0xc];
	[sflag:s7] =	ssyncset.done $0x0  }
0x8b: {  	s11 =	simm.s32 $0xF;
	[smem:$0x7F7] =	sst s17;
	[sflag:s7] =	ssyncadd.s32 $0xFFFFF000  }
0x8c: {  	[hbm:s15], [sflag:s17] =	dma.local [spmem:s16], $0x200  }
0x8d: {  	s0 =	ssub.s32 $0x2, s0;
	s20 =	sor.u32 $0x1C17, s5;
	_ =	swait.ge [sflag:s11], $0x1000  }
0x8e: {  	s23 =	sor.u32 $0x1C18, s5;
	s26 =	sshrl.u32 s0, $0x1;
	s19 =	sld [smem:$0x7F8]  }
0x8f: {  	s0 =	ssub.s32 s0, s26;
	s18 =	rddreg [dreg:$0xd];
	[sflag:s11] =	ssyncset.done $0x0  }
0x90: {  	s13 =	simm.s32 $0x10;
	[smem:$0x7F9] =	sst s20;
	[sflag:s11] =	ssyncadd.s32 $0xFFFFF000  }
0x91: {  	[hbm:s18], [sflag:s20] =	dma.local [spmem:s19], $0x200  }
0x92: {  	s5 =	sor.u32 $0x1C19, s5;
	s0 =	smax.u32 s0, $0x1;
	_ =	swait.ge [sflag:s13], $0x1000  }
0x93: {  	p0 =	sne.s32 s0, $0x1;
	s8 =	sadd.s32 $0xFFFFFFFF, s0;
	s21 =	sld [smem:$0x7FA]  }
0x94: {  	s10 =	simm.s32 $0x14;
	s22 =	rddreg [dreg:$0xe];
	[sflag:s13] =	ssyncset.done $0x0  }
0x95: {  	s17 =	simm.s32 $0x11;
	[smem:$0x7FB] =	sst s23;
	[sflag:s13] =	ssyncadd.s32 $0xFFFFF000  }
0x96: {  	[hbm:s22], [sflag:s23] =	dma.local [spmem:s21], $0x200  }
.Ltmp0:
0x97: {  	s0 =	simm.s32 $0x15;
	_ =	swait.ge [sflag:s17], $0x1000;
	(pc) =	sbr.rel @!p0 .LBB2_3-.Ltmp0, $4  }
0x98: {  	s12 =	simm.s32 $0x13;
	s14 =	simm.s32 $0x19;
	s25 =	sld [smem:$0x7FC]  }
0x99: {  	s15 =	simm.s32 $0x12;
	s24 =	rddreg [dreg:$0xf];
	[sflag:s17] =	ssyncset.done $0x0  }
0x9a: {  	s16 =	simm.s32 $0x18;
	[smem:$0x7FD] =	sst s5;
	[sflag:s17] =	ssyncadd.s32 $0xFFFFF000  }
0x9b: {  	[hbm:s24], [sflag:s5] =	dma.local [spmem:s25], $0x200  }
0x9c: {  	s22 =	simm.s32 $0x2100;
	s23 =	simm.s32 $0x3100  }
0x9d: {  	s24 =	simm.s32 $0x4100;
	s25 =	simm.s32 $0x6100;
	s26 =	simm.s32 $0x2  }
.LBB2_2:
0x9e: {  	_ =	swait.ge [sflag:s15], $0x200  }
0x9f: {  	[sflag:s15] =	ssyncset.done $0x0  }
0xa0: {  	[sflag:s15] =	ssyncadd.s32 $0xFFFFFE00  }
0xa1: {  	_ =	swait.ge [sflag:s12], $0x200  }
0xa2: {  	[sflag:s12] =	ssyncset.done $0x0  }
0xa3: {  	[sflag:s12] =	ssyncadd.s32 $0xFFFFFE00  }
0xa4: {  	_ =	swait.ge [sflag:s10], $0x200  }
0xa5: {  	[sflag:s10] =	ssyncset.done $0x0  }
0xa6: {  	[sflag:s10] =	ssyncadd.s32 $0xFFFFFE00  }
0xa7: {  	_ =	swait.ge [sflag:s0], $0x200  }
0xa8: {  	[sflag:s0] =	ssyncset.done $0x0  }
0xa9: {  	[sflag:s0] =	ssyncadd.s32 $0xFFFFFE00  }
0xaa: {  	_ =	swait.ge [sflag:s31], $0x200  }
0xab: {  	[sflag:s31] =	ssyncset.done $0x0  }
0xac: {  	[sflag:s31] =	ssyncadd.s32 $0xFFFFFE00  }
0xad: {  	_ =	swait.ge [sflag:s29], $0x200  }
0xae: {  	[sflag:s29] =	ssyncset.done $0x0  }
0xaf: {  	[sflag:s29] =	ssyncadd.s32 $0xFFFFFE00  }
0xb0: {  	_ =	swait.ge [sflag:s16], $0x200  }
0xb1: {  	[sflag:s16] =	ssyncset.done $0x0  }
0xb2: {  	[sflag:s16] =	ssyncadd.s32 $0xFFFFFE00  }
0xb3: {  	_ =	swait.ge [sflag:s14], $0x200  }
0xb4: {  	s5 =	rddreg [dreg:$0x6];
	[sflag:s14] =	ssyncset.done $0x0  }
0xb5: {  	s18 =	rddreg [dreg:$0x7];
	[sflag:s14] =	ssyncadd.s32 $0xFFFFFE00  }
0xb6: {  	[spmem:s6], [sflag:s18] =	dma.local [hbm:s5], $0x1000  }
0xb7: {  	s19 =	simm.s32 $0x0;
	s5 =	rddreg [dreg:$0x8]  }
0xb8: {  	s20 =	simm.s32 $0x80;
	s21 =	simm.s32 $0x1A;
	s18 =	rddreg [dreg:$0x10]  }
0xb9: {  	[tilespmem:s19], [sflag:$0x1A] =	stream.strided.gather [hbm4b:s5+s20], $0x100, s18, s20, $0x38;
	[tilespmem:$0x10500] =	vst v63  }
0xba: {  	_ =	swait.ge [sflag:s21], $0x100  }
0xbb: {  	[sflag:s21] =	ssyncset.done $0x0  }
0xbc: {  	[sflag:s21] =	ssyncadd.s32 $0xFFFFFF00;
	s21 =	simm.s32 $0x100  }
0xbd: {  	[tilespmem:s21], [sflag:$0x2] =	stream.indirect.gather [hbm4b:s2+s9], $0x80, s19, s9, $0xb8;
	[tilespmem:$0x10500] =	vst v63  }
0xbe: {  	s19 =	simm.s32 $0x1100  }
0xbf: {  	[tilespmem:s19], [sflag:$0x3] =	stream.indirect.gather [hbm4b:s2+s9], $0x80, s9, s9, $0xb8;
	[tilespmem:$0x10500] =	vst v63  }
0xc0: {  	s5 =	rddreg [dreg:$0x11]  }
0xc1: {  	[tilespmem:s22], [sflag:$0x4] =	stream.indirect.gather [hbm4b:s2+s9], $0x80, s5, s9, $0xb8;
	[tilespmem:$0x10500] =	vst v63  }
0xc2: {  	s18 =	rddreg [dreg:$0x12]  }
0xc3: {  	[tilespmem:s23], [sflag:$0x5] =	stream.indirect.gather [hbm4b:s2+s9], $0x80, s18, s9, $0xb8;
	[tilespmem:$0x10500] =	vst v63  }
0xc4: {  	_ = 	snop  }
0xc5: {  	[tilespmem:s24], [sflag:$0x6] =	stream.indirect.gather [hbm4b:s2+s9], $0x80, s20, s9, $0xb8;
	[tilespmem:$0x10500] =	vst v63  }
0xc6: {  	s5 =	rddreg [dreg:$0x13];
	s20 =	simm.s32 $0x5100  }
0xc7: {  	[tilespmem:s20], [sflag:$0x7] =	stream.indirect.gather [hbm4b:s2+s9], $0x80, s5, s9, $0xb8;
	[tilespmem:$0x10500] =	vst v63  }
0xc8: {  	s18 =	rddreg [dreg:$0x14]  }
0xc9: {  	[tilespmem:s25], [sflag:$0x8] =	stream.indirect.gather [hbm4b:s2+s9], $0x80, s18, s9, $0xb8;
	[tilespmem:$0x10500] =	vst v63  }
0xca: {  	s5 =	rddreg [dreg:$0x15];
	s18 =	simm.s32 $0x7100  }
0xcb: {  	[tilespmem:s18], [sflag:$0x9] =	stream.indirect.gather [hbm4b:s2+s9], $0x80, s5, s9, $0xb8;
	[tilespmem:$0x10500] =	vst v63  }
0xcc: {  	[tilespmem:$0x8490] =	vst v0  }
0xcd: {  	[tilespmem:$0x8480] =	vst v1  }
0xce: {  	[tilespmem:$0x8410] =	vst v2  }
0xcf: {  	[tilespmem:$0x8400] =	vst v3  }
0xd0: {  	[tilespmem:$0x8390] =	vst v4  }
0xd1: {  	[tilespmem:$0x8380] =	vst v5  }
0xd2: {  	[tilespmem:$0x8310] =	vst v6  }
0xd3: {  	[tilespmem:$0x8280] =	vst v7  }
0xd4: {  	[tilespmem:$0x8300] =	vst v8  }
0xd5: {  	[tilespmem:$0x8290] =	vst v9  }
0xd6: {  	[tilespmem:$0x8210] =	vst v10  }
0xd7: {  	[tilespmem:$0x8200] =	vst v11  }
0xd8: {  	[tilespmem:$0x8190] =	vst v12  }
0xd9: {  	[tilespmem:$0x8180] =	vst v13  }
0xda: {  	[tilespmem:$0x8100] =	vst v14  }
0xdb: {  	s5 =	simm.s32 $0x1;
	[tilespmem:$0x8110] =	vst v15  }
0xdc: {  	_ =	swait.ge [sflag:s5], $0x1000  }
0xdd: {  	[sflag:s5] =	ssyncset.done $0x0  }
0xde: {  	[sflag:s5] =	ssyncadd.s32 $0xFFFFF000  }
0xdf: {  	_ =	swait.ge [sflag:s26], $0x1000  }
0xe0: {  	[sflag:s26] =	ssyncset.done $0x0  }
0xe1: {  	s5 =	rddreg [dreg:$0x16];
	[sflag:s26] =	ssyncadd.s32 $0xFFFFF000  }
0xe2: {  	[spmem:s3] =	stream.indirect.scatter.add.f32 [tilespmem:s21], [sflag:$0xA], $0x80, s5, s9, $0xb8;
	[tilespmem:$0x10500] =	vst v63  }
0xe3: {  	s21 =	simm.s32 $0x3  }
0xe4: {  	_ =	swait.ge [sflag:s21], $0x1000  }
0xe5: {  	[sflag:s21] =	ssyncset.done $0x0  }
0xe6: {  	s5 =	rddreg [dreg:$0x17];
	[sflag:s21] =	ssyncadd.s32 $0xFFFFF000  }
0xe7: {  	[spmem:s3] =	stream.indirect.scatter.add.f32 [tilespmem:s19], [sflag:$0xB], $0x80, s5, s9, $0xb8;
	[tilespmem:$0x10500] =	vst v63  }
0xe8: {  	s5 =	simm.s32 $0x4  }
0xe9: {  	_ =	swait.ge [sflag:s5], $0x1000  }
0xea: {  	[sflag:s5] =	ssyncset.done $0x0  }
0xeb: {  	s21 =	rddreg [dreg:$0x18];
	[sflag:s5] =	ssyncadd.s32 $0xFFFFF000;
	s5 =	simm.s32 $0x5  }
0xec: {  	[spmem:s3] =	stream.indirect.scatter.add.f32 [tilespmem:s22], [sflag:$0xC], $0x80, s21, s9, $0xb8;
	[tilespmem:$0x10500] =	vst v63  }
0xed: {  	_ =	swait.ge [sflag:s5], $0x1000  }
0xee: {  	[sflag:s5] =	ssyncset.done $0x0  }
0xef: {  	s21 =	rddreg [dreg:$0x19];
	[sflag:s5] =	ssyncadd.s32 $0xFFFFF000;
	s5 =	simm.s32 $0x6  }
0xf0: {  	[spmem:s3] =	stream.indirect.scatter.add.f32 [tilespmem:s23], [sflag:$0xD], $0x80, s21, s9, $0xb8;
	[tilespmem:$0x10500] =	vst v63  }
0xf1: {  	_ =	swait.ge [sflag:s5], $0x1000  }
0xf2: {  	[sflag:s5] =	ssyncset.done $0x0  }
0xf3: {  	s21 =	rddreg [dreg:$0x1a];
	[sflag:s5] =	ssyncadd.s32 $0xFFFFF000;
	s5 =	simm.s32 $0x7  }
0xf4: {  	[spmem:s3] =	stream.indirect.scatter.add.f32 [tilespmem:s24], [sflag:$0xE], $0x80, s21, s9, $0xb8;
	[tilespmem:$0x10500] =	vst v63  }
0xf5: {  	_ =	swait.ge [sflag:s5], $0x1000  }
0xf6: {  	[sflag:s5] =	ssyncset.done $0x0  }
0xf7: {  	s21 =	rddreg [dreg:$0x1b];
	[sflag:s5] =	ssyncadd.s32 $0xFFFFF000  }
0xf8: {  	[spmem:s3] =	stream.indirect.scatter.add.f32 [tilespmem:s20], [sflag:$0xF], $0x80, s21, s9, $0xb8;
	[tilespmem:$0x10500] =	vst v63  }
0xf9: {  	s20 =	simm.s32 $0x8  }
0xfa: {  	_ =	swait.ge [sflag:s20], $0x1000  }
0xfb: {  	[sflag:s20] =	ssyncset.done $0x0  }
0xfc: {  	s21 =	rddreg [dreg:$0x1c];
	[sflag:s20] =	ssyncadd.s32 $0xFFFFF000;
	s20 =	simm.s32 $0x9  }
0xfd: {  	[spmem:s3] =	stream.indirect.scatter.add.f32 [tilespmem:s25], [sflag:$0x10], $0x80, s21, s9, $0xb8;
	[tilespmem:$0x10500] =	vst v63  }
0xfe: {  	_ =	swait.ge [sflag:s20], $0x1000  }
0xff: {  	[sflag:s20] =	ssyncset.done $0x0  }
0x100: {  	s21 =	rddreg [dreg:$0x1d];
	[sflag:s20] =	ssyncadd.s32 $0xFFFFF000  }
0x101: {  	[spmem:s3] =	stream.indirect.scatter.add.f32 [tilespmem:s18], [sflag:$0x11], $0x80, s21, s9, $0xb8;
	[tilespmem:$0x10500] =	vst v63  }
0x102: {  	_ =	swait.ge [sflag:s28], $0x1000  }
0x103: {  	s20 =	sld [smem:$0x7F0]  }
0x104: {  	s21 =	sld [smem:$0x7F1]  }
0x105: {  	[sflag:s28] =	ssyncset.done $0x0  }
0x106: {  	[sflag:s28] =	ssyncadd.s32 $0xFFFFF000  }
0x107: {  	[hbm:s20], [sflag:s21] =	dma.local [spmem:s6], $0x200  }
0x108: {  	_ =	swait.ge [sflag:s30], $0x1000  }
0x109: {  	s21 =	sld [smem:$0x7F2]  }
0x10a: {  	[sflag:s30] =	ssyncset.done $0x0;
	s19 =	rddreg [dreg:$0x9]  }
0x10b: {  	s20 =	rddreg [dreg:$0x1e];
	[sflag:s30] =	ssyncadd.s32 $0xFFFFF000  }
0x10c: {  	[hbm:s19], [sflag:s21] =	dma.local [spmem:s20], $0x200  }
0x10d: {  	_ =	swait.ge [sflag:s1], $0x1000  }
0x10e: {  	s21 =	sld [smem:$0x7F3]  }
0x10f: {  	[sflag:s1] =	ssyncset.done $0x0;
	s19 =	rddreg [dreg:$0xa]  }
0x110: {  	s20 =	rddreg [dreg:$0x1f];
	[sflag:s1] =	ssyncadd.s32 $0xFFFFF000  }
0x111: {  	[hbm:s19], [sflag:s21] =	dma.local [spmem:s20], $0x200  }
0x112: {  	_ =	swait.ge [sflag:s4], $0x1000  }
0x113: {  	s20 =	sld [smem:$0x7F4]  }
0x114: {  	s21 =	sld [smem:$0x7F5]  }
0x115: {  	[sflag:s4] =	ssyncset.done $0x0  }
0x116: {  	s19 =	rddreg [dreg:$0xb];
	[sflag:s4] =	ssyncadd.s32 $0xFFFFF000  }
0x117: {  	[hbm:s19], [sflag:s21] =	dma.local [spmem:s20], $0x200  }
0x118: {  	_ =	swait.ge [sflag:s7], $0x1000  }
0x119: {  	s20 =	sld [smem:$0x7F6]  }
0x11a: {  	s21 =	sld [smem:$0x7F7]  }
0x11b: {  	[sflag:s7] =	ssyncset.done $0x0  }
0x11c: {  	s19 =	rddreg [dreg:$0xc];
	[sflag:s7] =	ssyncadd.s32 $0xFFFFF000  }
0x11d: {  	[hbm:s19], [sflag:s21] =	dma.local [spmem:s20], $0x200  }
0x11e: {  	_ =	swait.ge [sflag:s11], $0x1000  }
0x11f: {  	s20 =	sld [smem:$0x7F8]  }
0x120: {  	s21 =	sld [smem:$0x7F9]  }
0x121: {  	[sflag:s11] =	ssyncset.done $0x0  }
0x122: {  	s19 =	rddreg [dreg:$0xd];
	[sflag:s11] =	ssyncadd.s32 $0xFFFFF000  }
0x123: {  	[hbm:s19], [sflag:s21] =	dma.local [spmem:s20], $0x200  }
0x124: {  	_ =	swait.ge [sflag:s13], $0x1000  }
0x125: {  	s19 =	sld [smem:$0x7FA]  }
0x126: {  	s21 =	sld [smem:$0x7FB]  }
0x127: {  	[sflag:s13] =	ssyncset.done $0x0  }
0x128: {  	s20 =	rddreg [dreg:$0xe];
	[sflag:s13] =	ssyncadd.s32 $0xFFFFF000  }
0x129: {  	[hbm:s20], [sflag:s21] =	dma.local [spmem:s19], $0x200  }
0x12a: {  	p0 =	sne.s32 s8, $0x1;
	_ =	swait.ge [sflag:s17], $0x1000  }
.Ltmp1:
0x12b: {  	s20 =	sld [smem:$0x7FC];
	(pc) =	sbr.rel @p0 .LBB2_2-.Ltmp1, $4  }
0x12c: {  	s21 =	sld [smem:$0x7FD]  }
0x12d: {  	[sflag:s17] =	ssyncset.done $0x0  }
0x12e: {  	s8 =	sadd.s32 $0xFFFFFFFF, s8;
	s19 =	rddreg [dreg:$0xf];
	[sflag:s17] =	ssyncadd.s32 $0xFFFFF000  }
0x12f: {  	[hbm:s19], [sflag:s21] =	dma.local [spmem:s20], $0x200  }
.LBB2_3:
0x130: {  	_ =	swait.ge [sflag:s15], $0x200  }
0x131: {  	[sflag:s15] =	ssyncset.done $0x0  }
0x132: {  	[sflag:s15] =	ssyncadd.s32 $0xFFFFFE00  }
0x133: {  	_ =	swait.ge [sflag:s12], $0x200  }
0x134: {  	[sflag:s12] =	ssyncset.done $0x0  }
0x135: {  	[sflag:s12] =	ssyncadd.s32 $0xFFFFFE00  }
0x136: {  	_ =	swait.ge [sflag:s10], $0x200  }
0x137: {  	[sflag:s10] =	ssyncset.done $0x0  }
0x138: {  	[sflag:s10] =	ssyncadd.s32 $0xFFFFFE00  }
0x139: {  	_ =	swait.ge [sflag:s0], $0x200  }
0x13a: {  	[sflag:s0] =	ssyncset.done $0x0  }
0x13b: {  	[sflag:s0] =	ssyncadd.s32 $0xFFFFFE00  }
0x13c: {  	_ =	swait.ge [sflag:s31], $0x200  }
0x13d: {  	[sflag:s31] =	ssyncset.done $0x0  }
0x13e: {  	[sflag:s31] =	ssyncadd.s32 $0xFFFFFE00  }
0x13f: {  	_ =	swait.ge [sflag:s29], $0x200  }
0x140: {  	[sflag:s29] =	ssyncset.done $0x0  }
0x141: {  	[sflag:s29] =	ssyncadd.s32 $0xFFFFFE00  }
0x142: {  	_ =	swait.ge [sflag:s16], $0x200  }
0x143: {  	[sflag:s16] =	ssyncset.done $0x0  }
0x144: {  	[sflag:s16] =	ssyncadd.s32 $0xFFFFFE00  }
0x145: {  	_ =	swait.ge [sflag:s14], $0x200  }
0x146: {  	[sflag:s14] =	ssyncset.done $0x0  }
0x147: {  	[sflag:s14] =	ssyncadd.s32 $0xFFFFFE00  }
0x148: {  	_ =	sfence.sel $0x180000  }
0x149: {  	[bflag:$0x0] =	sbarrier.arrive $0xFFFF  }
0x14a: {  	_ =	strace $0x90000047  }
0x14b: {  	s31 =	stileid.u32;
	[bflag:$0x2] =	sbarrier.arrive $0xFFFF  }
0x14c: {  	p0 =	sne.s32 s31, $0x0;
	s0 =	rddreg [dreg:$0x5]  }
0x14d: {  	s0 =	sadd.s32 @!p0 $0x100000, s0  }
0x14e: {  	[sflag:s0] =	ssyncadd.tile.s32 @!p0 $0x1;
	_ =	shalt  }
.Lfunc_end2:
_tile_overlayer_lowered:
.L_overlay_start_2:
0x14f: {  	(tag) =	ssettag $0x2  }
0x150: {  	s0 =	rddreg [dreg:$0x0];
	s2 =	stileid.u32  }
0x151: {  	s1 =	rddreg [dreg:$0x1];
	p0 =	sne.s32 s2, $0x0  }
0x152: {  	s3 =	rddreg [dreg:$0x2];
	[bflag:$0x3] =	sbarrier.arrive $0xFFFF;
	s2 =	simm.s32 @!p0 $0x1C1A  }
0x153: {  	[timem:s3], [sflag:s2] =	dma.local @!p0 [hbm:s0], s1  }
0x154: {  	s0 =	simm.s32 @!p0 $0x1A  }
0x155: {  	_ =	swait.ge @!p0 [sflag:s0], s1  }
0x156: {  	s1 =	ssub.s32 @!p0 $0x0, s1;
	[sflag:s0] =	ssyncset.done @!p0 $0x0  }
0x157: {  	[sflag:s0] =	ssyncadd.s32 @!p0 s1  }
0x158: {  	[bflag:$0x3] =	sbarrier.arrive $0xFFFF  }
0x159: {  	_ =	shalt  }

</sc_bundles>
